<compile_context>
chip_gen: v7x
topology: tpu7x:2x2x1
jax: 0.10.2.dev20260603
libtpu: 0.0.44.dev20260713+nightly
codegen_flags: <defaults>
</compile_context>

<pallas_src>
import functools

import jax
import jax.numpy as jnp
from jax import lax
from jax.experimental import pallas as pl
from jax.experimental.pallas import tpu as pltpu
from jax.experimental.pallas import tpu_sc as plsc

N = 10000
D = 128
H = 64
G = 64
C = 10

NC = 2
NS = 16
NW = NC * NS

CHUNK = 128
GROUP = 8
ROWS_PER_TILE = 632
N_PAD = ROWS_PER_TILE * NS

_HIGH = jax.lax.Precision.HIGHEST


def _sc_mesh():
    return plsc.VectorSubcoreMesh(core_axis_name="c", subcore_axis_name="s")


def _make_sc_count(nchunks):

    @functools.partial(
        pl.kernel, mesh=_sc_mesh(),
        compiler_params=pltpu.CompilerParams(use_tc_tiling_on_sc=False),
        out_type=jax.ShapeDtypeStruct((NC, N_PAD, 8), jnp.float32),
        scratch_types=[
            pltpu.VMEM((nchunks, CHUNK), jnp.int32),
            pltpu.VMEM((CHUNK, 8), jnp.float32),
            pltpu.VMEM_SHARED((N_PAD, 8), jnp.float32),
            pltpu.SemaphoreType.DMA,
        ],
    )
    def sc_count(dst_hbm, zeros_hbm, ones_hbm, out_hbm, didx_v, ones_v,
                 acc_s, sem):
        c = lax.axis_index("c")
        s = lax.axis_index("s")
        row0 = s * ROWS_PER_TILE
        pltpu.sync_copy(zeros_hbm, acc_s.at[pl.ds(row0, ROWS_PER_TILE)])
        pltpu.sync_copy(ones_hbm, ones_v)
        rbase = (c * NS + s) * nchunks
        pltpu.sync_copy(dst_hbm.at[pl.ds(rbase, nchunks)], didx_v)
        plsc.subcore_barrier()

        def fire(i, carry):
            pltpu.async_copy(ones_v, acc_s.at[didx_v.at[i]], sem, add=True)
            return carry

        lax.fori_loop(0, nchunks, fire, 0)

        def drain(i, carry):
            pltpu.make_async_copy(ones_v, acc_s.at[didx_v.at[i]], sem).wait()
            return carry

        lax.fori_loop(0, nchunks, drain, 0)
        plsc.subcore_barrier()
        pltpu.sync_copy(acc_s.at[pl.ds(row0, ROWS_PER_TILE)],
                        out_hbm.at[c, pl.ds(row0, ROWS_PER_TILE)])

    return sc_count


def _make_sc_edge(nchunks):

    @functools.partial(
        pl.kernel, mesh=_sc_mesh(),
        compiler_params=pltpu.CompilerParams(use_tc_tiling_on_sc=False),
        out_type=jax.ShapeDtypeStruct((NC, N_PAD, H), jnp.float32),
        scratch_types=[
            pltpu.VMEM((nchunks, CHUNK), jnp.int32),
            pltpu.VMEM((nchunks, CHUNK), jnp.int32),
            [pltpu.VMEM((CHUNK, H), jnp.float32)] * GROUP,
            [pltpu.SemaphoreType.DMA] * GROUP,
            [pltpu.SemaphoreType.DMA] * GROUP,
            pltpu.VMEM_SHARED((N_PAD, H), jnp.float32),
        ],
    )
    def sc_edge(src_hbm, dst_hbm, q_hbm, zeros_hbm, out_hbm,
                sidx_v, didx_v, bufs, gsems, ssems, acc_s):
        c = lax.axis_index("c")
        s = lax.axis_index("s")
        row0 = s * ROWS_PER_TILE
        pltpu.sync_copy(zeros_hbm, acc_s.at[pl.ds(row0, ROWS_PER_TILE)])
        rbase = (c * NS + s) * nchunks
        pltpu.sync_copy(src_hbm.at[pl.ds(rbase, nchunks)], sidx_v)
        pltpu.sync_copy(dst_hbm.at[pl.ds(rbase, nchunks)], didx_v)
        plsc.subcore_barrier()

        def body(g, carry):
            i0 = g * GROUP
            gds = []
            for b in range(GROUP):
                gds.append(pltpu.async_copy(
                    q_hbm.at[sidx_v.at[i0 + b]], bufs[b], gsems[b]))
            sds = []
            for b in range(GROUP):
                gds[b].wait()
                sds.append(pltpu.async_copy(
                    bufs[b], acc_s.at[didx_v.at[i0 + b]], ssems[b], add=True))
            for b in range(GROUP):
                sds[b].wait()
            return carry

        lax.fori_loop(0, nchunks // GROUP, body, 0)
        plsc.subcore_barrier()
        pltpu.sync_copy(acc_s.at[pl.ds(row0, ROWS_PER_TILE)],
                        out_hbm.at[c, pl.ds(row0, ROWS_PER_TILE)])

    return sc_edge


BLK = 1000
GRID = N // BLK


def _tc_a_body(cnt_ref, x_ref, w1_ref, dis_ref, q1_ref):
    cnt = cnt_ref[...]
    deg = 1.0 + cnt[0, :, 0] + cnt[1, :, 0]
    dis = jax.lax.rsqrt(deg)
    p = lax.dot_general(x_ref[...], w1_ref[...], (((1,), (0,)), ((), ())),
                        precision=_HIGH, preferred_element_type=jnp.float32)
    q1_ref[...] = dis[:, None] * p
    dis_ref[...] = jnp.broadcast_to(dis[:, None], (BLK, 8))


def _tc_b_body(agg_ref, q1_ref, dis_ref, b1_ref, w2_ref, q2_ref):
    agg = agg_ref[0] + agg_ref[1] + q1_ref[...]
    dis = dis_ref[...][:, :1]
    out1 = jnp.maximum(dis * agg + b1_ref[...], 0.0)
    p2 = lax.dot_general(out1, w2_ref[...], (((1,), (0,)), ((), ())),
                         precision=_HIGH, preferred_element_type=jnp.float32)
    q2_ref[...] = dis * p2


def _tc_c_body(agg_ref, q2_ref, dis_ref, b2_ref, batch_ref, wf_ref, bf_ref,
               out_ref, acc_ref):
    i = pl.program_id(0)
    agg = agg_ref[0] + agg_ref[1] + q2_ref[...]
    dis = dis_ref[...][:, :1]
    out2 = jnp.maximum(dis * agg + b2_ref[...], 0.0)
    b = batch_ref[0, 0, :]
    onehot = (b[:, None] == lax.broadcasted_iota(jnp.int32, (BLK, G), 1)
              ).astype(jnp.float32)
    contrib = lax.dot_general(onehot, out2, (((0,), (0,)), ((), ())),
                              precision=_HIGH, preferred_element_type=jnp.float32)

    @pl.when(i == 0)
    def _():
        acc_ref[...] = contrib

    @pl.when(i > 0)
    def _():
        acc_ref[...] = acc_ref[...] + contrib

    @pl.when(i == pl.num_programs(0) - 1)
    def _():
        logits = lax.dot_general(acc_ref[...], wf_ref[...], (((1,), (0,)), ((), ())),
                                 precision=_HIGH, preferred_element_type=jnp.float32)
        logits = logits + bf_ref[...]
        col = lax.broadcasted_iota(jnp.int32, (G, 128), 1)
        logits = jnp.where(col < C, logits, -1e30)
        m = jnp.max(logits, axis=1, keepdims=True)
        lse = m + jnp.log(jnp.sum(jnp.exp(logits - m), axis=1, keepdims=True))
        out_ref[...] = logits - lse


def kernel(x, edge_index, batch, W1, b1, W2, b2, Wf, bf):
    E = edge_index.shape[1]
    step = CHUNK * GROUP
    ept = ((E + NW - 1) // NW + step - 1) // step * step
    e_pad = ept * NW
    nchunks = ept // CHUNK
    npad = e_pad - E
    pad_dst = N + jnp.arange(npad, dtype=jnp.int32) % jnp.int32(N_PAD - N)
    pad_src = jnp.arange(npad, dtype=jnp.int32) % jnp.int32(N)
    src = jnp.concatenate([edge_index[0], pad_src]).reshape(
        NW * nchunks, CHUNK)
    dst = jnp.concatenate([edge_index[1], pad_dst]).reshape(
        NW * nchunks, CHUNK)

    zeros8 = jnp.zeros((ROWS_PER_TILE, 8), jnp.float32)
    ones8 = jnp.ones((CHUNK, 8), jnp.float32)
    zerosH = jnp.zeros((ROWS_PER_TILE, H), jnp.float32)

    sc_count = _make_sc_count(nchunks)
    sc_edge = _make_sc_edge(nchunks)

    cnt = sc_count(dst, zeros8, ones8)

    dis8, q1 = pl.pallas_call(
        _tc_a_body,
        grid=(GRID,),
        in_specs=[
            pl.BlockSpec((NC, BLK, 8), lambda i: (0, i, 0)),
            pl.BlockSpec((BLK, D), lambda i: (i, 0)),
            pl.BlockSpec((D, H), lambda i: (0, 0)),
        ],
        out_specs=[
            pl.BlockSpec((BLK, 8), lambda i: (i, 0)),
            pl.BlockSpec((BLK, H), lambda i: (i, 0)),
        ],
        out_shape=[
            jax.ShapeDtypeStruct((N, 8), jnp.float32),
            jax.ShapeDtypeStruct((N, H), jnp.float32),
        ],
    )(cnt, x, W1)

    agg1 = sc_edge(src, dst, q1, zerosH)

    q2 = pl.pallas_call(
        _tc_b_body,
        grid=(GRID,),
        in_specs=[
            pl.BlockSpec((NC, BLK, H), lambda i: (0, i, 0)),
            pl.BlockSpec((BLK, H), lambda i: (i, 0)),
            pl.BlockSpec((BLK, 8), lambda i: (i, 0)),
            pl.BlockSpec((1, H), lambda i: (0, 0)),
            pl.BlockSpec((H, H), lambda i: (0, 0)),
        ],
        out_specs=pl.BlockSpec((BLK, H), lambda i: (i, 0)),
        out_shape=jax.ShapeDtypeStruct((N, H), jnp.float32),
    )(agg1, q1, dis8, b1[None, :], W2)

    agg2 = sc_edge(src, dst, q2, zerosH)

    batch_r = batch.reshape(GRID, 1, BLK)
    wf_pad = jnp.zeros((H, 128), jnp.float32).at[:, :C].set(Wf)
    bf_pad = jnp.zeros((1, 128), jnp.float32).at[0, :C].set(bf)

    out_pad = pl.pallas_call(
        _tc_c_body,
        grid=(GRID,),
        in_specs=[
            pl.BlockSpec((NC, BLK, H), lambda i: (0, i, 0)),
            pl.BlockSpec((BLK, H), lambda i: (i, 0)),
            pl.BlockSpec((BLK, 8), lambda i: (i, 0)),
            pl.BlockSpec((1, H), lambda i: (0, 0)),
            pl.BlockSpec((1, 1, BLK), lambda i: (i, 0, 0)),
            pl.BlockSpec((H, 128), lambda i: (0, 0)),
            pl.BlockSpec((1, 128), lambda i: (0, 0)),
        ],
        out_specs=pl.BlockSpec((G, 128), lambda i: (0, 0)),
        out_shape=jax.ShapeDtypeStruct((G, 128), jnp.float32),
        scratch_shapes=[pltpu.VMEM((G, G), jnp.float32)],
    )(agg2, q2, dis8, b2[None, :], batch_r, wf_pad, bf_pad)

    return out_pad[:, :C]

# --- scband reference (transcript-rebuilt; emitter-appended) ---
"""Pipeline reference for scband-gnn-graph-clasif-model-28793460752816 (READ-ONLY COPY).

The authoritative reference and input builder live on the scoring server;
editing this copy changes nothing except your own understanding.
"""

import jax, jax.numpy as jnp
import numpy as np

N = 10000
E = 320000
D = 128
H = 64
G = 64
C = 10


def setup_inputs(seed: int = 0) -> dict:
    key = jax.random.key(seed)
    ks = jax.random.split(key, 9)
    x = jax.random.normal(ks[0], (N, D), dtype=jnp.float32)
    edge_index = jax.random.randint(ks[1], (2, E), 0, N, dtype=jnp.int32)
    batch = jnp.sort(jax.random.randint(ks[2], (N,), 0, G, dtype=jnp.int32))
    W1 = jax.random.normal(ks[3], (D, H), dtype=jnp.float32) * (1.0 / np.sqrt(D))
    b1 = jnp.zeros((H,), dtype=jnp.float32)
    W2 = jax.random.normal(ks[4], (H, H), dtype=jnp.float32) * (1.0 / np.sqrt(H))
    b2 = jnp.zeros((H,), dtype=jnp.float32)
    Wf = jax.random.normal(ks[5], (H, C), dtype=jnp.float32) * (1.0 / np.sqrt(H))
    bf = jnp.zeros((C,), dtype=jnp.float32)
    return {"x": x, "edge_index": edge_index, "batch": batch,
            "W1": W1, "b1": b1, "W2": W2, "b2": b2, "Wf": Wf, "bf": bf}


def gcn_conv(x, edge_index, W, b):
    n = x.shape[0]
    loop = jnp.arange(n, dtype=edge_index.dtype)
    src = jnp.concatenate([edge_index[0], loop])
    dst = jnp.concatenate([edge_index[1], loop])
    h = x @ W
    deg = jnp.zeros((n,), dtype=h.dtype).at[dst].add(1.0)
    deg_inv_sqrt = jnp.where(deg > 0, deg ** -0.5, 0.0)
    norm = deg_inv_sqrt[src] * deg_inv_sqrt[dst]
    msg = h[src] * norm[:, None]
    out = jnp.zeros((n, h.shape[1]), dtype=h.dtype).at[dst].add(msg)
    return out + b


def reference(x, edge_index, batch, W1, b1, W2, b2, Wf, bf):
    h = jax.nn.relu(gcn_conv(x, edge_index, W1, b1))
    h = jax.nn.relu(gcn_conv(h, edge_index, W2, b2))
    pooled = jax.ops.segment_sum(h, batch, num_segments=G)
    logits = pooled @ Wf + bf
    return jax.nn.log_softmax(logits, axis=1)

if __name__ == "__main__":
    import jax
    _d = setup_inputs()
    print(jax.jit(kernel)(*tuple(_d.values())))

</pallas_src>

<mosaic_0001>
#map = affine_map<(d0, d1) -> (0, 0)>
#map1 = affine_map<(d0, d1) -> (0, 0, 0)>
module attributes {stable_mosaic.version = 14 : i64} {
  func.func @sc_edge(%arg0: i32, %arg1: i32, %arg2: memref<2560x128xi32, #tpu.memory_space<hbm>>, %arg3: memref<2560x128xi32, #tpu.memory_space<hbm>>, %arg4: memref<10000x64xf32, #tpu.memory_space<hbm>>, %arg5: memref<632x64xf32, #tpu.memory_space<hbm>>, %arg6: memref<2x10112x64xf32, #tpu.memory_space<hbm>>, %arg7: memref<80x128xi32, #tpu.memory_space<vmem>>, %arg8: memref<80x128xi32, #tpu.memory_space<vmem>>, %arg9: memref<128x64xf32, #tpu.memory_space<vmem>>, %arg10: memref<128x64xf32, #tpu.memory_space<vmem>>, %arg11: memref<128x64xf32, #tpu.memory_space<vmem>>, %arg12: memref<128x64xf32, #tpu.memory_space<vmem>>, %arg13: memref<128x64xf32, #tpu.memory_space<vmem>>, %arg14: memref<128x64xf32, #tpu.memory_space<vmem>>, %arg15: memref<128x64xf32, #tpu.memory_space<vmem>>, %arg16: memref<128x64xf32, #tpu.memory_space<vmem>>, %arg17: memref<!tpu.dma_semaphore, #tpu.memory_space<semaphore_mem>>, %arg18: memref<!tpu.dma_semaphore, #tpu.memory_space<semaphore_mem>>, %arg19: memref<!tpu.dma_semaphore, #tpu.memory_space<semaphore_mem>>, %arg20: memref<!tpu.dma_semaphore, #tpu.memory_space<semaphore_mem>>, %arg21: memref<!tpu.dma_semaphore, #tpu.memory_space<semaphore_mem>>, %arg22: memref<!tpu.dma_semaphore, #tpu.memory_space<semaphore_mem>>, %arg23: memref<!tpu.dma_semaphore, #tpu.memory_space<semaphore_mem>>, %arg24: memref<!tpu.dma_semaphore, #tpu.memory_space<semaphore_mem>>, %arg25: memref<!tpu.dma_semaphore, #tpu.memory_space<semaphore_mem>>, %arg26: memref<!tpu.dma_semaphore, #tpu.memory_space<semaphore_mem>>, %arg27: memref<!tpu.dma_semaphore, #tpu.memory_space<semaphore_mem>>, %arg28: memref<!tpu.dma_semaphore, #tpu.memory_space<semaphore_mem>>, %arg29: memref<!tpu.dma_semaphore, #tpu.memory_space<semaphore_mem>>, %arg30: memref<!tpu.dma_semaphore, #tpu.memory_space<semaphore_mem>>, %arg31: memref<!tpu.dma_semaphore, #tpu.memory_space<semaphore_mem>>, %arg32: memref<!tpu.dma_semaphore, #tpu.memory_space<semaphore_mem>>, %arg33: memref<10112x64xf32, #tpu.memory_space<vmem_shared>>) attributes {dimension_semantics = [#tpu.dimension_semantics<core_parallel>, #tpu.dimension_semantics<subcore_parallel>], iteration_bounds = array<i64: 2, 16>, scalar_prefetch = 0 : i64, scratch_operands = 27 : i64, tpu.core_type = #tpu.core_type<sc_vector_subcore>, window_params = [{transform_indices = #map}, {transform_indices = #map}, {transform_indices = #map}, {transform_indices = #map}, {transform_indices = #map1}]} {
    %mul3A = arith.constant 632 : i32
    %mul3A_0 = arith.muli %arg1, %mul3A : i32
    "tpu.region"() ({
      %run_scoped3A = tpu.sem_alloc : memref<!tpu.dma_semaphore, #tpu.memory_space<semaphore_mem>>
      %dma_start3A = arith.constant 0 : i32
      %dma_start3A_11 = tpu.memref_slice %arg33[%mul3A_0, %dma_start3A] : memref<10112x64xf32, #tpu.memory_space<vmem_shared>> -> memref<632x64xf32, #tpu.memory_space<vmem_shared>>
      tpu.enqueue_dma source(%arg5 : memref<632x64xf32, #tpu.memory_space<hbm>>) target(%dma_start3A_11 : memref<632x64xf32, #tpu.memory_space<vmem_shared>>) target_semaphore(%run_scoped3A : memref<!tpu.dma_semaphore, #tpu.memory_space<semaphore_mem>>)
      %dma_wait3A = arith.constant 0 : i32
      %dma_wait3A_12 = tpu.memref_slice %arg33[%mul3A_0, %dma_wait3A] : memref<10112x64xf32, #tpu.memory_space<vmem_shared>> -> memref<632x64xf32, #tpu.memory_space<vmem_shared>>
      tpu.wait_dma2 semaphore(%run_scoped3A : memref<!tpu.dma_semaphore, #tpu.memory_space<semaphore_mem>>) src(%arg5 : memref<632x64xf32, #tpu.memory_space<hbm>>) dst(%dma_wait3A_12 : memref<632x64xf32, #tpu.memory_space<vmem_shared>>)
      tpu.yield
    }) : () -> ()
    %mul3A_1 = arith.constant 16 : i32
    %mul3A_2 = arith.muli %arg0, %mul3A_1 : i32
    %add3A = arith.addi %mul3A_2, %arg1 : i32
    %mul3A_3 = arith.constant 80 : i32
    %mul3A_4 = arith.muli %add3A, %mul3A_3 : i32
    "tpu.region"() ({
      %run_scoped3A = tpu.sem_alloc : memref<!tpu.dma_semaphore, #tpu.memory_space<semaphore_mem>>
      %dma_start3A = arith.constant 0 : i32
      %dma_start3A_11 = tpu.memref_slice %arg2[%mul3A_4, %dma_start3A] : memref<2560x128xi32, #tpu.memory_space<hbm>> -> memref<80x128xi32, #tpu.memory_space<hbm>>
      %dma_start3A_12 = arith.constant 0 : i32
      %dma_start3A_13 = tpu.memref_slice %arg2[%mul3A_4, %dma_start3A_12] : memref<2560x128xi32, #tpu.memory_space<hbm>> -> memref<80x128xi32, #tpu.memory_space<hbm>>
      tpu.enqueue_dma source(%dma_start3A_13 : memref<80x128xi32, #tpu.memory_space<hbm>>) target(%arg7 : memref<80x128xi32, #tpu.memory_space<vmem>>) target_semaphore(%run_scoped3A : memref<!tpu.dma_semaphore, #tpu.memory_space<semaphore_mem>>)
      %dma_wait3A = arith.constant 0 : i32
      %dma_wait3A_14 = tpu.memref_slice %arg2[%mul3A_4, %dma_wait3A] : memref<2560x128xi32, #tpu.memory_space<hbm>> -> memref<80x128xi32, #tpu.memory_space<hbm>>
      %dma_wait3A_15 = arith.constant 0 : i32
      %dma_wait3A_16 = tpu.memref_slice %arg2[%mul3A_4, %dma_wait3A_15] : memref<2560x128xi32, #tpu.memory_space<hbm>> -> memref<80x128xi32, #tpu.memory_space<hbm>>
      tpu.wait_dma2 semaphore(%run_scoped3A : memref<!tpu.dma_semaphore, #tpu.memory_space<semaphore_mem>>) src(%dma_wait3A_16 : memref<80x128xi32, #tpu.memory_space<hbm>>) dst(%arg7 : memref<80x128xi32, #tpu.memory_space<vmem>>)
      tpu.yield
    }) : () -> ()
    "tpu.region"() ({
      %run_scoped3A = tpu.sem_alloc : memref<!tpu.dma_semaphore, #tpu.memory_space<semaphore_mem>>
      %dma_start3A = arith.constant 0 : i32
      %dma_start3A_11 = tpu.memref_slice %arg3[%mul3A_4, %dma_start3A] : memref<2560x128xi32, #tpu.memory_space<hbm>> -> memref<80x128xi32, #tpu.memory_space<hbm>>
      %dma_start3A_12 = arith.constant 0 : i32
      %dma_start3A_13 = tpu.memref_slice %arg3[%mul3A_4, %dma_start3A_12] : memref<2560x128xi32, #tpu.memory_space<hbm>> -> memref<80x128xi32, #tpu.memory_space<hbm>>
      tpu.enqueue_dma source(%dma_start3A_13 : memref<80x128xi32, #tpu.memory_space<hbm>>) target(%arg8 : memref<80x128xi32, #tpu.memory_space<vmem>>) target_semaphore(%run_scoped3A : memref<!tpu.dma_semaphore, #tpu.memory_space<semaphore_mem>>)
      %dma_wait3A = arith.constant 0 : i32
      %dma_wait3A_14 = tpu.memref_slice %arg3[%mul3A_4, %dma_wait3A] : memref<2560x128xi32, #tpu.memory_space<hbm>> -> memref<80x128xi32, #tpu.memory_space<hbm>>
      %dma_wait3A_15 = arith.constant 0 : i32
      %dma_wait3A_16 = tpu.memref_slice %arg3[%mul3A_4, %dma_wait3A_15] : memref<2560x128xi32, #tpu.memory_space<hbm>> -> memref<80x128xi32, #tpu.memory_space<hbm>>
      tpu.wait_dma2 semaphore(%run_scoped3A : memref<!tpu.dma_semaphore, #tpu.memory_space<semaphore_mem>>) src(%dma_wait3A_16 : memref<80x128xi32, #tpu.memory_space<hbm>>) dst(%arg8 : memref<80x128xi32, #tpu.memory_space<vmem>>)
      tpu.yield
    }) : () -> ()
    %barrier3A = arith.constant 0 : index
    tpu.barrier barrier_id(%barrier3A)
    %scan3A = arith.constant 0 : i32
    %scan3A_5 = arith.constant 0 : i32
    %scan3A_6 = arith.constant 10 : i32
    %scan3A_7 = arith.addi %scan3A_5, %scan3A_6 : i32
    %scan3A_8 = arith.constant 1 : i32
    scf.for %scan3A_11 = %scan3A_5 to %scan3A_7 step %scan3A_8  : i32 {
      %mul3A_12 = arith.constant 8 : i32
      %mul3A_13 = arith.muli %scan3A_11, %mul3A_12 : i32
      %add3A_14 = arith.constant 0 : i32
      %add3A_15 = arith.addi %mul3A_13, %add3A_14 : i32
      %dma_start3A = arith.constant 0 : i32
      %dma_start3A_16 = tpu.memref_slice %arg7[%add3A_15, %dma_start3A] : memref<80x128xi32, #tpu.memory_space<vmem>> -> memref<1x128xi32, #tpu.memory_space<vmem>>
      %dma_start3A_17 = tpu.memref_squeeze %dma_start3A_16 : memref<1x128xi32, #tpu.memory_space<vmem>> -> memref<128xi32, #tpu.memory_space<vmem>>
      %dma_start3A_18 = arith.constant 0 : i32
      %dma_start3A_19 = arith.constant 0 : i32
      %dma_start3A_20 = tpu.memref_slice %arg4[%dma_start3A_18, %dma_start3A_19] : memref<10000x64xf32, #tpu.memory_space<hbm>> -> memref<10000x64xf32, #tpu.memory_space<hbm>>
      tpu.enqueue_indirect_dma source(%dma_start3A_20 : memref<10000x64xf32, #tpu.memory_space<hbm>>) target(%arg9 : memref<128x64xf32, #tpu.memory_space<vmem>>) offsets(%dma_start3A_17 : memref<128xi32, #tpu.memory_space<vmem>>) semaphore(%arg17 : memref<!tpu.dma_semaphore, #tpu.memory_space<semaphore_mem>>)
      %add3A_21 = arith.constant 1 : i32
      %add3A_22 = arith.addi %mul3A_13, %add3A_21 : i32
      %dma_start3A_23 = arith.constant 0 : i32
      %dma_start3A_24 = tpu.memref_slice %arg7[%add3A_22, %dma_start3A_23] : memref<80x128xi32, #tpu.memory_space<vmem>> -> memref<1x128xi32, #tpu.memory_space<vmem>>
      %dma_start3A_25 = tpu.memref_squeeze %dma_start3A_24 : memref<1x128xi32, #tpu.memory_space<vmem>> -> memref<128xi32, #tpu.memory_space<vmem>>
      %dma_start3A_26 = arith.constant 0 : i32
      %dma_start3A_27 = arith.constant 0 : i32
      %dma_start3A_28 = tpu.memref_slice %arg4[%dma_start3A_26, %dma_start3A_27] : memref<10000x64xf32, #tpu.memory_space<hbm>> -> memref<10000x64xf32, #tpu.memory_space<hbm>>
      tpu.enqueue_indirect_dma source(%dma_start3A_28 : memref<10000x64xf32, #tpu.memory_space<hbm>>) target(%arg10 : memref<128x64xf32, #tpu.memory_space<vmem>>) offsets(%dma_start3A_25 : memref<128xi32, #tpu.memory_space<vmem>>) semaphore(%arg18 : memref<!tpu.dma_semaphore, #tpu.memory_space<semaphore_mem>>)
      %add3A_29 = arith.constant 2 : i32
      %add3A_30 = arith.addi %mul3A_13, %add3A_29 : i32
      %dma_start3A_31 = arith.constant 0 : i32
      %dma_start3A_32 = tpu.memref_slice %arg7[%add3A_30, %dma_start3A_31] : memref<80x128xi32, #tpu.memory_space<vmem>> -> memref<1x128xi32, #tpu.memory_space<vmem>>
      %dma_start3A_33 = tpu.memref_squeeze %dma_start3A_32 : memref<1x128xi32, #tpu.memory_space<vmem>> -> memref<128xi32, #tpu.memory_space<vmem>>
      %dma_start3A_34 = arith.constant 0 : i32
      %dma_start3A_35 = arith.constant 0 : i32
      %dma_start3A_36 = tpu.memref_slice %arg4[%dma_start3A_34, %dma_start3A_35] : memref<10000x64xf32, #tpu.memory_space<hbm>> -> memref<10000x64xf32, #tpu.memory_space<hbm>>
      tpu.enqueue_indirect_dma source(%dma_start3A_36 : memref<10000x64xf32, #tpu.memory_space<hbm>>) target(%arg11 : memref<128x64xf32, #tpu.memory_space<vmem>>) offsets(%dma_start3A_33 : memref<128xi32, #tpu.memory_space<vmem>>) semaphore(%arg19 : memref<!tpu.dma_semaphore, #tpu.memory_space<semaphore_mem>>)
      %add3A_37 = arith.constant 3 : i32
      %add3A_38 = arith.addi %mul3A_13, %add3A_37 : i32
      %dma_start3A_39 = arith.constant 0 : i32
      %dma_start3A_40 = tpu.memref_slice %arg7[%add3A_38, %dma_start3A_39] : memref<80x128xi32, #tpu.memory_space<vmem>> -> memref<1x128xi32, #tpu.memory_space<vmem>>
      %dma_start3A_41 = tpu.memref_squeeze %dma_start3A_40 : memref<1x128xi32, #tpu.memory_space<vmem>> -> memref<128xi32, #tpu.memory_space<vmem>>
      %dma_start3A_42 = arith.constant 0 : i32
      %dma_start3A_43 = arith.constant 0 : i32
      %dma_start3A_44 = tpu.memref_slice %arg4[%dma_start3A_42, %dma_start3A_43] : memref<10000x64xf32, #tpu.memory_space<hbm>> -> memref<10000x64xf32, #tpu.memory_space<hbm>>
      tpu.enqueue_indirect_dma source(%dma_start3A_44 : memref<10000x64xf32, #tpu.memory_space<hbm>>) target(%arg12 : memref<128x64xf32, #tpu.memory_space<vmem>>) offsets(%dma_start3A_41 : memref<128xi32, #tpu.memory_space<vmem>>) semaphore(%arg20 : memref<!tpu.dma_semaphore, #tpu.memory_space<semaphore_mem>>)
      %add3A_45 = arith.constant 4 : i32
      %add3A_46 = arith.addi %mul3A_13, %add3A_45 : i32
      %dma_start3A_47 = arith.constant 0 : i32
      %dma_start3A_48 = tpu.memref_slice %arg7[%add3A_46, %dma_start3A_47] : memref<80x128xi32, #tpu.memory_space<vmem>> -> memref<1x128xi32, #tpu.memory_space<vmem>>
      %dma_start3A_49 = tpu.memref_squeeze %dma_start3A_48 : memref<1x128xi32, #tpu.memory_space<vmem>> -> memref<128xi32, #tpu.memory_space<vmem>>
      %dma_start3A_50 = arith.constant 0 : i32
      %dma_start3A_51 = arith.constant 0 : i32
      %dma_start3A_52 = tpu.memref_slice %arg4[%dma_start3A_50, %dma_start3A_51] : memref<10000x64xf32, #tpu.memory_space<hbm>> -> memref<10000x64xf32, #tpu.memory_space<hbm>>
      tpu.enqueue_indirect_dma source(%dma_start3A_52 : memref<10000x64xf32, #tpu.memory_space<hbm>>) target(%arg13 : memref<128x64xf32, #tpu.memory_space<vmem>>) offsets(%dma_start3A_49 : memref<128xi32, #tpu.memory_space<vmem>>) semaphore(%arg21 : memref<!tpu.dma_semaphore, #tpu.memory_space<semaphore_mem>>)
      %add3A_53 = arith.constant 5 : i32
      %add3A_54 = arith.addi %mul3A_13, %add3A_53 : i32
      %dma_start3A_55 = arith.constant 0 : i32
      %dma_start3A_56 = tpu.memref_slice %arg7[%add3A_54, %dma_start3A_55] : memref<80x128xi32, #tpu.memory_space<vmem>> -> memref<1x128xi32, #tpu.memory_space<vmem>>
      %dma_start3A_57 = tpu.memref_squeeze %dma_start3A_56 : memref<1x128xi32, #tpu.memory_space<vmem>> -> memref<128xi32, #tpu.memory_space<vmem>>
      %dma_start3A_58 = arith.constant 0 : i32
      %dma_start3A_59 = arith.constant 0 : i32
      %dma_start3A_60 = tpu.memref_slice %arg4[%dma_start3A_58, %dma_start3A_59] : memref<10000x64xf32, #tpu.memory_space<hbm>> -> memref<10000x64xf32, #tpu.memory_space<hbm>>
      tpu.enqueue_indirect_dma source(%dma_start3A_60 : memref<10000x64xf32, #tpu.memory_space<hbm>>) target(%arg14 : memref<128x64xf32, #tpu.memory_space<vmem>>) offsets(%dma_start3A_57 : memref<128xi32, #tpu.memory_space<vmem>>) semaphore(%arg22 : memref<!tpu.dma_semaphore, #tpu.memory_space<semaphore_mem>>)
      %add3A_61 = arith.constant 6 : i32
      %add3A_62 = arith.addi %mul3A_13, %add3A_61 : i32
      %dma_start3A_63 = arith.constant 0 : i32
      %dma_start3A_64 = tpu.memref_slice %arg7[%add3A_62, %dma_start3A_63] : memref<80x128xi32, #tpu.memory_space<vmem>> -> memref<1x128xi32, #tpu.memory_space<vmem>>
      %dma_start3A_65 = tpu.memref_squeeze %dma_start3A_64 : memref<1x128xi32, #tpu.memory_space<vmem>> -> memref<128xi32, #tpu.memory_space<vmem>>
      %dma_start3A_66 = arith.constant 0 : i32
      %dma_start3A_67 = arith.constant 0 : i32
      %dma_start3A_68 = tpu.memref_slice %arg4[%dma_start3A_66, %dma_start3A_67] : memref<10000x64xf32, #tpu.memory_space<hbm>> -> memref<10000x64xf32, #tpu.memory_space<hbm>>
      tpu.enqueue_indirect_dma source(%dma_start3A_68 : memref<10000x64xf32, #tpu.memory_space<hbm>>) target(%arg15 : memref<128x64xf32, #tpu.memory_space<vmem>>) offsets(%dma_start3A_65 : memref<128xi32, #tpu.memory_space<vmem>>) semaphore(%arg23 : memref<!tpu.dma_semaphore, #tpu.memory_space<semaphore_mem>>)
      %add3A_69 = arith.constant 7 : i32
      %add3A_70 = arith.addi %mul3A_13, %add3A_69 : i32
      %dma_start3A_71 = arith.constant 0 : i32
      %dma_start3A_72 = tpu.memref_slice %arg7[%add3A_70, %dma_start3A_71] : memref<80x128xi32, #tpu.memory_space<vmem>> -> memref<1x128xi32, #tpu.memory_space<vmem>>
      %dma_start3A_73 = tpu.memref_squeeze %dma_start3A_72 : memref<1x128xi32, #tpu.memory_space<vmem>> -> memref<128xi32, #tpu.memory_space<vmem>>
      %dma_start3A_74 = arith.constant 0 : i32
      %dma_start3A_75 = arith.constant 0 : i32
      %dma_start3A_76 = tpu.memref_slice %arg4[%dma_start3A_74, %dma_start3A_75] : memref<10000x64xf32, #tpu.memory_space<hbm>> -> memref<10000x64xf32, #tpu.memory_space<hbm>>
      tpu.enqueue_indirect_dma source(%dma_start3A_76 : memref<10000x64xf32, #tpu.memory_space<hbm>>) target(%arg16 : memref<128x64xf32, #tpu.memory_space<vmem>>) offsets(%dma_start3A_73 : memref<128xi32, #tpu.memory_space<vmem>>) semaphore(%arg24 : memref<!tpu.dma_semaphore, #tpu.memory_space<semaphore_mem>>)
      %dma_wait3A = arith.constant 0 : i32
      %dma_wait3A_77 = tpu.memref_slice %arg7[%add3A_15, %dma_wait3A] : memref<80x128xi32, #tpu.memory_space<vmem>> -> memref<1x128xi32, #tpu.memory_space<vmem>>
      %dma_wait3A_78 = tpu.memref_squeeze %dma_wait3A_77 : memref<1x128xi32, #tpu.memory_space<vmem>> -> memref<128xi32, #tpu.memory_space<vmem>>
      %dma_wait3A_79 = arith.constant 0 : i32
      %dma_wait3A_80 = arith.constant 0 : i32
      %dma_wait3A_81 = tpu.memref_slice %arg4[%dma_wait3A_79, %dma_wait3A_80] : memref<10000x64xf32, #tpu.memory_space<hbm>> -> memref<10000x64xf32, #tpu.memory_space<hbm>>
      tpu.wait_indirect_dma semaphore(%arg17 : memref<!tpu.dma_semaphore, #tpu.memory_space<semaphore_mem>>) src(%dma_wait3A_81 : memref<10000x64xf32, #tpu.memory_space<hbm>>) dst(%arg9 : memref<128x64xf32, #tpu.memory_space<vmem>>)
      %add3A_82 = arith.constant 0 : i32
      %add3A_83 = arith.addi %mul3A_13, %add3A_82 : i32
      %dma_start3A_84 = arith.constant 0 : i32
      %dma_start3A_85 = tpu.memref_slice %arg8[%add3A_83, %dma_start3A_84] : memref<80x128xi32, #tpu.memory_space<vmem>> -> memref<1x128xi32, #tpu.memory_space<vmem>>
      %dma_start3A_86 = tpu.memref_squeeze %dma_start3A_85 : memref<1x128xi32, #tpu.memory_space<vmem>> -> memref<128xi32, #tpu.memory_space<vmem>>
      %dma_start3A_87 = arith.constant 0 : i32
      %dma_start3A_88 = arith.constant 0 : i32
      %dma_start3A_89 = tpu.memref_slice %arg33[%dma_start3A_87, %dma_start3A_88] : memref<10112x64xf32, #tpu.memory_space<vmem_shared>> -> memref<10112x64xf32, #tpu.memory_space<vmem_shared>>
      tpu.enqueue_indirect_dma source(%arg9 : memref<128x64xf32, #tpu.memory_space<vmem>>) target(%dma_start3A_89 : memref<10112x64xf32, #tpu.memory_space<vmem_shared>>) offsets(%dma_start3A_86 : memref<128xi32, #tpu.memory_space<vmem>>) semaphore(%arg25 : memref<!tpu.dma_semaphore, #tpu.memory_space<semaphore_mem>>) {add = true}
      %dma_wait3A_90 = arith.constant 0 : i32
      %dma_wait3A_91 = tpu.memref_slice %arg7[%add3A_22, %dma_wait3A_90] : memref<80x128xi32, #tpu.memory_space<vmem>> -> memref<1x128xi32, #tpu.memory_space<vmem>>
      %dma_wait3A_92 = tpu.memref_squeeze %dma_wait3A_91 : memref<1x128xi32, #tpu.memory_space<vmem>> -> memref<128xi32, #tpu.memory_space<vmem>>
      %dma_wait3A_93 = arith.constant 0 : i32
      %dma_wait3A_94 = arith.constant 0 : i32
      %dma_wait3A_95 = tpu.memref_slice %arg4[%dma_wait3A_93, %dma_wait3A_94] : memref<10000x64xf32, #tpu.memory_space<hbm>> -> memref<10000x64xf32, #tpu.memory_space<hbm>>
      tpu.wait_indirect_dma semaphore(%arg18 : memref<!tpu.dma_semaphore, #tpu.memory_space<semaphore_mem>>) src(%dma_wait3A_95 : memref<10000x64xf32, #tpu.memory_space<hbm>>) dst(%arg10 : memref<128x64xf32, #tpu.memory_space<vmem>>)
      %add3A_96 = arith.constant 1 : i32
      %add3A_97 = arith.addi %mul3A_13, %add3A_96 : i32
      %dma_start3A_98 = arith.constant 0 : i32
      %dma_start3A_99 = tpu.memref_slice %arg8[%add3A_97, %dma_start3A_98] : memref<80x128xi32, #tpu.memory_space<vmem>> -> memref<1x128xi32, #tpu.memory_space<vmem>>
      %dma_start3A_100 = tpu.memref_squeeze %dma_start3A_99 : memref<1x128xi32, #tpu.memory_space<vmem>> -> memref<128xi32, #tpu.memory_space<vmem>>
      %dma_start3A_101 = arith.constant 0 : i32
      %dma_start3A_102 = arith.constant 0 : i32
      %dma_start3A_103 = tpu.memref_slice %arg33[%dma_start3A_101, %dma_start3A_102] : memref<10112x64xf32, #tpu.memory_space<vmem_shared>> -> memref<10112x64xf32, #tpu.memory_space<vmem_shared>>
      tpu.enqueue_indirect_dma source(%arg10 : memref<128x64xf32, #tpu.memory_space<vmem>>) target(%dma_start3A_103 : memref<10112x64xf32, #tpu.memory_space<vmem_shared>>) offsets(%dma_start3A_100 : memref<128xi32, #tpu.memory_space<vmem>>) semaphore(%arg26 : memref<!tpu.dma_semaphore, #tpu.memory_space<semaphore_mem>>) {add = true}
      %dma_wait3A_104 = arith.constant 0 : i32
      %dma_wait3A_105 = tpu.memref_slice %arg7[%add3A_30, %dma_wait3A_104] : memref<80x128xi32, #tpu.memory_space<vmem>> -> memref<1x128xi32, #tpu.memory_space<vmem>>
      %dma_wait3A_106 = tpu.memref_squeeze %dma_wait3A_105 : memref<1x128xi32, #tpu.memory_space<vmem>> -> memref<128xi32, #tpu.memory_space<vmem>>
      %dma_wait3A_107 = arith.constant 0 : i32
      %dma_wait3A_108 = arith.constant 0 : i32
      %dma_wait3A_109 = tpu.memref_slice %arg4[%dma_wait3A_107, %dma_wait3A_108] : memref<10000x64xf32, #tpu.memory_space<hbm>> -> memref<10000x64xf32, #tpu.memory_space<hbm>>
      tpu.wait_indirect_dma semaphore(%arg19 : memref<!tpu.dma_semaphore, #tpu.memory_space<semaphore_mem>>) src(%dma_wait3A_109 : memref<10000x64xf32, #tpu.memory_space<hbm>>) dst(%arg11 : memref<128x64xf32, #tpu.memory_space<vmem>>)
      %add3A_110 = arith.constant 2 : i32
      %add3A_111 = arith.addi %mul3A_13, %add3A_110 : i32
      %dma_start3A_112 = arith.constant 0 : i32
      %dma_start3A_113 = tpu.memref_slice %arg8[%add3A_111, %dma_start3A_112] : memref<80x128xi32, #tpu.memory_space<vmem>> -> memref<1x128xi32, #tpu.memory_space<vmem>>
      %dma_start3A_114 = tpu.memref_squeeze %dma_start3A_113 : memref<1x128xi32, #tpu.memory_space<vmem>> -> memref<128xi32, #tpu.memory_space<vmem>>
      %dma_start3A_115 = arith.constant 0 : i32
      %dma_start3A_116 = arith.constant 0 : i32
      %dma_start3A_117 = tpu.memref_slice %arg33[%dma_start3A_115, %dma_start3A_116] : memref<10112x64xf32, #tpu.memory_space<vmem_shared>> -> memref<10112x64xf32, #tpu.memory_space<vmem_shared>>
      tpu.enqueue_indirect_dma source(%arg11 : memref<128x64xf32, #tpu.memory_space<vmem>>) target(%dma_start3A_117 : memref<10112x64xf32, #tpu.memory_space<vmem_shared>>) offsets(%dma_start3A_114 : memref<128xi32, #tpu.memory_space<vmem>>) semaphore(%arg27 : memref<!tpu.dma_semaphore, #tpu.memory_space<semaphore_mem>>) {add = true}
      %dma_wait3A_118 = arith.constant 0 : i32
      %dma_wait3A_119 = tpu.memref_slice %arg7[%add3A_38, %dma_wait3A_118] : memref<80x128xi32, #tpu.memory_space<vmem>> -> memref<1x128xi32, #tpu.memory_space<vmem>>
      %dma_wait3A_120 = tpu.memref_squeeze %dma_wait3A_119 : memref<1x128xi32, #tpu.memory_space<vmem>> -> memref<128xi32, #tpu.memory_space<vmem>>
      %dma_wait3A_121 = arith.constant 0 : i32
      %dma_wait3A_122 = arith.constant 0 : i32
      %dma_wait3A_123 = tpu.memref_slice %arg4[%dma_wait3A_121, %dma_wait3A_122] : memref<10000x64xf32, #tpu.memory_space<hbm>> -> memref<10000x64xf32, #tpu.memory_space<hbm>>
      tpu.wait_indirect_dma semaphore(%arg20 : memref<!tpu.dma_semaphore, #tpu.memory_space<semaphore_mem>>) src(%dma_wait3A_123 : memref<10000x64xf32, #tpu.memory_space<hbm>>) dst(%arg12 : memref<128x64xf32, #tpu.memory_space<vmem>>)
      %add3A_124 = arith.constant 3 : i32
      %add3A_125 = arith.addi %mul3A_13, %add3A_124 : i32
      %dma_start3A_126 = arith.constant 0 : i32
      %dma_start3A_127 = tpu.memref_slice %arg8[%add3A_125, %dma_start3A_126] : memref<80x128xi32, #tpu.memory_space<vmem>> -> memref<1x128xi32, #tpu.memory_space<vmem>>
      %dma_start3A_128 = tpu.memref_squeeze %dma_start3A_127 : memref<1x128xi32, #tpu.memory_space<vmem>> -> memref<128xi32, #tpu.memory_space<vmem>>
      %dma_start3A_129 = arith.constant 0 : i32
      %dma_start3A_130 = arith.constant 0 : i32
      %dma_start3A_131 = tpu.memref_slice %arg33[%dma_start3A_129, %dma_start3A_130] : memref<10112x64xf32, #tpu.memory_space<vmem_shared>> -> memref<10112x64xf32, #tpu.memory_space<vmem_shared>>
      tpu.enqueue_indirect_dma source(%arg12 : memref<128x64xf32, #tpu.memory_space<vmem>>) target(%dma_start3A_131 : memref<10112x64xf32, #tpu.memory_space<vmem_shared>>) offsets(%dma_start3A_128 : memref<128xi32, #tpu.memory_space<vmem>>) semaphore(%arg28 : memref<!tpu.dma_semaphore, #tpu.memory_space<semaphore_mem>>) {add = true}
      %dma_wait3A_132 = arith.constant 0 : i32
      %dma_wait3A_133 = tpu.memref_slice %arg7[%add3A_46, %dma_wait3A_132] : memref<80x128xi32, #tpu.memory_space<vmem>> -> memref<1x128xi32, #tpu.memory_space<vmem>>
      %dma_wait3A_134 = tpu.memref_squeeze %dma_wait3A_133 : memref<1x128xi32, #tpu.memory_space<vmem>> -> memref<128xi32, #tpu.memory_space<vmem>>
      %dma_wait3A_135 = arith.constant 0 : i32
      %dma_wait3A_136 = arith.constant 0 : i32
      %dma_wait3A_137 = tpu.memref_slice %arg4[%dma_wait3A_135, %dma_wait3A_136] : memref<10000x64xf32, #tpu.memory_space<hbm>> -> memref<10000x64xf32, #tpu.memory_space<hbm>>
      tpu.wait_indirect_dma semaphore(%arg21 : memref<!tpu.dma_semaphore, #tpu.memory_space<semaphore_mem>>) src(%dma_wait3A_137 : memref<10000x64xf32, #tpu.memory_space<hbm>>) dst(%arg13 : memref<128x64xf32, #tpu.memory_space<vmem>>)
      %add3A_138 = arith.constant 4 : i32
      %add3A_139 = arith.addi %mul3A_13, %add3A_138 : i32
      %dma_start3A_140 = arith.constant 0 : i32
      %dma_start3A_141 = tpu.memref_slice %arg8[%add3A_139, %dma_start3A_140] : memref<80x128xi32, #tpu.memory_space<vmem>> -> memref<1x128xi32, #tpu.memory_space<vmem>>
      %dma_start3A_142 = tpu.memref_squeeze %dma_start3A_141 : memref<1x128xi32, #tpu.memory_space<vmem>> -> memref<128xi32, #tpu.memory_space<vmem>>
      %dma_start3A_143 = arith.constant 0 : i32
      %dma_start3A_144 = arith.constant 0 : i32
      %dma_start3A_145 = tpu.memref_slice %arg33[%dma_start3A_143, %dma_start3A_144] : memref<10112x64xf32, #tpu.memory_space<vmem_shared>> -> memref<10112x64xf32, #tpu.memory_space<vmem_shared>>
      tpu.enqueue_indirect_dma source(%arg13 : memref<128x64xf32, #tpu.memory_space<vmem>>) target(%dma_start3A_145 : memref<10112x64xf32, #tpu.memory_space<vmem_shared>>) offsets(%dma_start3A_142 : memref<128xi32, #tpu.memory_space<vmem>>) semaphore(%arg29 : memref<!tpu.dma_semaphore, #tpu.memory_space<semaphore_mem>>) {add = true}
      %dma_wait3A_146 = arith.constant 0 : i32
      %dma_wait3A_147 = tpu.memref_slice %arg7[%add3A_54, %dma_wait3A_146] : memref<80x128xi32, #tpu.memory_space<vmem>> -> memref<1x128xi32, #tpu.memory_space<vmem>>
      %dma_wait3A_148 = tpu.memref_squeeze %dma_wait3A_147 : memref<1x128xi32, #tpu.memory_space<vmem>> -> memref<128xi32, #tpu.memory_space<vmem>>
      %dma_wait3A_149 = arith.constant 0 : i32
      %dma_wait3A_150 = arith.constant 0 : i32
      %dma_wait3A_151 = tpu.memref_slice %arg4[%dma_wait3A_149, %dma_wait3A_150] : memref<10000x64xf32, #tpu.memory_space<hbm>> -> memref<10000x64xf32, #tpu.memory_space<hbm>>
      tpu.wait_indirect_dma semaphore(%arg22 : memref<!tpu.dma_semaphore, #tpu.memory_space<semaphore_mem>>) src(%dma_wait3A_151 : memref<10000x64xf32, #tpu.memory_space<hbm>>) dst(%arg14 : memref<128x64xf32, #tpu.memory_space<vmem>>)
      %add3A_152 = arith.constant 5 : i32
      %add3A_153 = arith.addi %mul3A_13, %add3A_152 : i32
      %dma_start3A_154 = arith.constant 0 : i32
      %dma_start3A_155 = tpu.memref_slice %arg8[%add3A_153, %dma_start3A_154] : memref<80x128xi32, #tpu.memory_space<vmem>> -> memref<1x128xi32, #tpu.memory_space<vmem>>
      %dma_start3A_156 = tpu.memref_squeeze %dma_start3A_155 : memref<1x128xi32, #tpu.memory_space<vmem>> -> memref<128xi32, #tpu.memory_space<vmem>>
      %dma_start3A_157 = arith.constant 0 : i32
      %dma_start3A_158 = arith.constant 0 : i32
      %dma_start3A_159 = tpu.memref_slice %arg33[%dma_start3A_157, %dma_start3A_158] : memref<10112x64xf32, #tpu.memory_space<vmem_shared>> -> memref<10112x64xf32, #tpu.memory_space<vmem_shared>>
      tpu.enqueue_indirect_dma source(%arg14 : memref<128x64xf32, #tpu.memory_space<vmem>>) target(%dma_start3A_159 : memref<10112x64xf32, #tpu.memory_space<vmem_shared>>) offsets(%dma_start3A_156 : memref<128xi32, #tpu.memory_space<vmem>>) semaphore(%arg30 : memref<!tpu.dma_semaphore, #tpu.memory_space<semaphore_mem>>) {add = true}
      %dma_wait3A_160 = arith.constant 0 : i32
      %dma_wait3A_161 = tpu.memref_slice %arg7[%add3A_62, %dma_wait3A_160] : memref<80x128xi32, #tpu.memory_space<vmem>> -> memref<1x128xi32, #tpu.memory_space<vmem>>
      %dma_wait3A_162 = tpu.memref_squeeze %dma_wait3A_161 : memref<1x128xi32, #tpu.memory_space<vmem>> -> memref<128xi32, #tpu.memory_space<vmem>>
      %dma_wait3A_163 = arith.constant 0 : i32
      %dma_wait3A_164 = arith.constant 0 : i32
      %dma_wait3A_165 = tpu.memref_slice %arg4[%dma_wait3A_163, %dma_wait3A_164] : memref<10000x64xf32, #tpu.memory_space<hbm>> -> memref<10000x64xf32, #tpu.memory_space<hbm>>
      tpu.wait_indirect_dma semaphore(%arg23 : memref<!tpu.dma_semaphore, #tpu.memory_space<semaphore_mem>>) src(%dma_wait3A_165 : memref<10000x64xf32, #tpu.memory_space<hbm>>) dst(%arg15 : memref<128x64xf32, #tpu.memory_space<vmem>>)
      %add3A_166 = arith.constant 6 : i32
      %add3A_167 = arith.addi %mul3A_13, %add3A_166 : i32
      %dma_start3A_168 = arith.constant 0 : i32
      %dma_start3A_169 = tpu.memref_slice %arg8[%add3A_167, %dma_start3A_168] : memref<80x128xi32, #tpu.memory_space<vmem>> -> memref<1x128xi32, #tpu.memory_space<vmem>>
      %dma_start3A_170 = tpu.memref_squeeze %dma_start3A_169 : memref<1x128xi32, #tpu.memory_space<vmem>> -> memref<128xi32, #tpu.memory_space<vmem>>
      %dma_start3A_171 = arith.constant 0 : i32
      %dma_start3A_172 = arith.constant 0 : i32
      %dma_start3A_173 = tpu.memref_slice %arg33[%dma_start3A_171, %dma_start3A_172] : memref<10112x64xf32, #tpu.memory_space<vmem_shared>> -> memref<10112x64xf32, #tpu.memory_space<vmem_shared>>
      tpu.enqueue_indirect_dma source(%arg15 : memref<128x64xf32, #tpu.memory_space<vmem>>) target(%dma_start3A_173 : memref<10112x64xf32, #tpu.memory_space<vmem_shared>>) offsets(%dma_start3A_170 : memref<128xi32, #tpu.memory_space<vmem>>) semaphore(%arg31 : memref<!tpu.dma_semaphore, #tpu.memory_space<semaphore_mem>>) {add = true}
      %dma_wait3A_174 = arith.constant 0 : i32
      %dma_wait3A_175 = tpu.memref_slice %arg7[%add3A_70, %dma_wait3A_174] : memref<80x128xi32, #tpu.memory_space<vmem>> -> memref<1x128xi32, #tpu.memory_space<vmem>>
      %dma_wait3A_176 = tpu.memref_squeeze %dma_wait3A_175 : memref<1x128xi32, #tpu.memory_space<vmem>> -> memref<128xi32, #tpu.memory_space<vmem>>
      %dma_wait3A_177 = arith.constant 0 : i32
      %dma_wait3A_178 = arith.constant 0 : i32
      %dma_wait3A_179 = tpu.memref_slice %arg4[%dma_wait3A_177, %dma_wait3A_178] : memref<10000x64xf32, #tpu.memory_space<hbm>> -> memref<10000x64xf32, #tpu.memory_space<hbm>>
      tpu.wait_indirect_dma semaphore(%arg24 : memref<!tpu.dma_semaphore, #tpu.memory_space<semaphore_mem>>) src(%dma_wait3A_179 : memref<10000x64xf32, #tpu.memory_space<hbm>>) dst(%arg16 : memref<128x64xf32, #tpu.memory_space<vmem>>)
      %add3A_180 = arith.constant 7 : i32
      %add3A_181 = arith.addi %mul3A_13, %add3A_180 : i32
      %dma_start3A_182 = arith.constant 0 : i32
      %dma_start3A_183 = tpu.memref_slice %arg8[%add3A_181, %dma_start3A_182] : memref<80x128xi32, #tpu.memory_space<vmem>> -> memref<1x128xi32, #tpu.memory_space<vmem>>
      %dma_start3A_184 = tpu.memref_squeeze %dma_start3A_183 : memref<1x128xi32, #tpu.memory_space<vmem>> -> memref<128xi32, #tpu.memory_space<vmem>>
      %dma_start3A_185 = arith.constant 0 : i32
      %dma_start3A_186 = arith.constant 0 : i32
      %dma_start3A_187 = tpu.memref_slice %arg33[%dma_start3A_185, %dma_start3A_186] : memref<10112x64xf32, #tpu.memory_space<vmem_shared>> -> memref<10112x64xf32, #tpu.memory_space<vmem_shared>>
      tpu.enqueue_indirect_dma source(%arg16 : memref<128x64xf32, #tpu.memory_space<vmem>>) target(%dma_start3A_187 : memref<10112x64xf32, #tpu.memory_space<vmem_shared>>) offsets(%dma_start3A_184 : memref<128xi32, #tpu.memory_space<vmem>>) semaphore(%arg32 : memref<!tpu.dma_semaphore, #tpu.memory_space<semaphore_mem>>) {add = true}
      %dma_wait3A_188 = arith.constant 0 : i32
      %dma_wait3A_189 = tpu.memref_slice %arg8[%add3A_83, %dma_wait3A_188] : memref<80x128xi32, #tpu.memory_space<vmem>> -> memref<1x128xi32, #tpu.memory_space<vmem>>
      %dma_wait3A_190 = tpu.memref_squeeze %dma_wait3A_189 : memref<1x128xi32, #tpu.memory_space<vmem>> -> memref<128xi32, #tpu.memory_space<vmem>>
      %dma_wait3A_191 = arith.constant 0 : i32
      %dma_wait3A_192 = arith.constant 0 : i32
      %dma_wait3A_193 = tpu.memref_slice %arg33[%dma_wait3A_191, %dma_wait3A_192] : memref<10112x64xf32, #tpu.memory_space<vmem_shared>> -> memref<10112x64xf32, #tpu.memory_space<vmem_shared>>
      tpu.wait_indirect_dma semaphore(%arg25 : memref<!tpu.dma_semaphore, #tpu.memory_space<semaphore_mem>>) src(%arg9 : memref<128x64xf32, #tpu.memory_space<vmem>>) dst(%dma_wait3A_193 : memref<10112x64xf32, #tpu.memory_space<vmem_shared>>)
      %dma_wait3A_194 = arith.constant 0 : i32
      %dma_wait3A_195 = tpu.memref_slice %arg8[%add3A_97, %dma_wait3A_194] : memref<80x128xi32, #tpu.memory_space<vmem>> -> memref<1x128xi32, #tpu.memory_space<vmem>>
      %dma_wait3A_196 = tpu.memref_squeeze %dma_wait3A_195 : memref<1x128xi32, #tpu.memory_space<vmem>> -> memref<128xi32, #tpu.memory_space<vmem>>
      %dma_wait3A_197 = arith.constant 0 : i32
      %dma_wait3A_198 = arith.constant 0 : i32
      %dma_wait3A_199 = tpu.memref_slice %arg33[%dma_wait3A_197, %dma_wait3A_198] : memref<10112x64xf32, #tpu.memory_space<vmem_shared>> -> memref<10112x64xf32, #tpu.memory_space<vmem_shared>>
      tpu.wait_indirect_dma semaphore(%arg26 : memref<!tpu.dma_semaphore, #tpu.memory_space<semaphore_mem>>) src(%arg10 : memref<128x64xf32, #tpu.memory_space<vmem>>) dst(%dma_wait3A_199 : memref<10112x64xf32, #tpu.memory_space<vmem_shared>>)
      %dma_wait3A_200 = arith.constant 0 : i32
      %dma_wait3A_201 = tpu.memref_slice %arg8[%add3A_111, %dma_wait3A_200] : memref<80x128xi32, #tpu.memory_space<vmem>> -> memref<1x128xi32, #tpu.memory_space<vmem>>
      %dma_wait3A_202 = tpu.memref_squeeze %dma_wait3A_201 : memref<1x128xi32, #tpu.memory_space<vmem>> -> memref<128xi32, #tpu.memory_space<vmem>>
      %dma_wait3A_203 = arith.constant 0 : i32
      %dma_wait3A_204 = arith.constant 0 : i32
      %dma_wait3A_205 = tpu.memref_slice %arg33[%dma_wait3A_203, %dma_wait3A_204] : memref<10112x64xf32, #tpu.memory_space<vmem_shared>> -> memref<10112x64xf32, #tpu.memory_space<vmem_shared>>
      tpu.wait_indirect_dma semaphore(%arg27 : memref<!tpu.dma_semaphore, #tpu.memory_space<semaphore_mem>>) src(%arg11 : memref<128x64xf32, #tpu.memory_space<vmem>>) dst(%dma_wait3A_205 : memref<10112x64xf32, #tpu.memory_space<vmem_shared>>)
      %dma_wait3A_206 = arith.constant 0 : i32
      %dma_wait3A_207 = tpu.memref_slice %arg8[%add3A_125, %dma_wait3A_206] : memref<80x128xi32, #tpu.memory_space<vmem>> -> memref<1x128xi32, #tpu.memory_space<vmem>>
      %dma_wait3A_208 = tpu.memref_squeeze %dma_wait3A_207 : memref<1x128xi32, #tpu.memory_space<vmem>> -> memref<128xi32, #tpu.memory_space<vmem>>
      %dma_wait3A_209 = arith.constant 0 : i32
      %dma_wait3A_210 = arith.constant 0 : i32
      %dma_wait3A_211 = tpu.memref_slice %arg33[%dma_wait3A_209, %dma_wait3A_210] : memref<10112x64xf32, #tpu.memory_space<vmem_shared>> -> memref<10112x64xf32, #tpu.memory_space<vmem_shared>>
      tpu.wait_indirect_dma semaphore(%arg28 : memref<!tpu.dma_semaphore, #tpu.memory_space<semaphore_mem>>) src(%arg12 : memref<128x64xf32, #tpu.memory_space<vmem>>) dst(%dma_wait3A_211 : memref<10112x64xf32, #tpu.memory_space<vmem_shared>>)
      %dma_wait3A_212 = arith.constant 0 : i32
      %dma_wait3A_213 = tpu.memref_slice %arg8[%add3A_139, %dma_wait3A_212] : memref<80x128xi32, #tpu.memory_space<vmem>> -> memref<1x128xi32, #tpu.memory_space<vmem>>
      %dma_wait3A_214 = tpu.memref_squeeze %dma_wait3A_213 : memref<1x128xi32, #tpu.memory_space<vmem>> -> memref<128xi32, #tpu.memory_space<vmem>>
      %dma_wait3A_215 = arith.constant 0 : i32
      %dma_wait3A_216 = arith.constant 0 : i32
      %dma_wait3A_217 = tpu.memref_slice %arg33[%dma_wait3A_215, %dma_wait3A_216] : memref<10112x64xf32, #tpu.memory_space<vmem_shared>> -> memref<10112x64xf32, #tpu.memory_space<vmem_shared>>
      tpu.wait_indirect_dma semaphore(%arg29 : memref<!tpu.dma_semaphore, #tpu.memory_space<semaphore_mem>>) src(%arg13 : memref<128x64xf32, #tpu.memory_space<vmem>>) dst(%dma_wait3A_217 : memref<10112x64xf32, #tpu.memory_space<vmem_shared>>)
      %dma_wait3A_218 = arith.constant 0 : i32
      %dma_wait3A_219 = tpu.memref_slice %arg8[%add3A_153, %dma_wait3A_218] : memref<80x128xi32, #tpu.memory_space<vmem>> -> memref<1x128xi32, #tpu.memory_space<vmem>>
      %dma_wait3A_220 = tpu.memref_squeeze %dma_wait3A_219 : memref<1x128xi32, #tpu.memory_space<vmem>> -> memref<128xi32, #tpu.memory_space<vmem>>
      %dma_wait3A_221 = arith.constant 0 : i32
      %dma_wait3A_222 = arith.constant 0 : i32
      %dma_wait3A_223 = tpu.memref_slice %arg33[%dma_wait3A_221, %dma_wait3A_222] : memref<10112x64xf32, #tpu.memory_space<vmem_shared>> -> memref<10112x64xf32, #tpu.memory_space<vmem_shared>>
      tpu.wait_indirect_dma semaphore(%arg30 : memref<!tpu.dma_semaphore, #tpu.memory_space<semaphore_mem>>) src(%arg14 : memref<128x64xf32, #tpu.memory_space<vmem>>) dst(%dma_wait3A_223 : memref<10112x64xf32, #tpu.memory_space<vmem_shared>>)
      %dma_wait3A_224 = arith.constant 0 : i32
      %dma_wait3A_225 = tpu.memref_slice %arg8[%add3A_167, %dma_wait3A_224] : memref<80x128xi32, #tpu.memory_space<vmem>> -> memref<1x128xi32, #tpu.memory_space<vmem>>
      %dma_wait3A_226 = tpu.memref_squeeze %dma_wait3A_225 : memref<1x128xi32, #tpu.memory_space<vmem>> -> memref<128xi32, #tpu.memory_space<vmem>>
      %dma_wait3A_227 = arith.constant 0 : i32
      %dma_wait3A_228 = arith.constant 0 : i32
      %dma_wait3A_229 = tpu.memref_slice %arg33[%dma_wait3A_227, %dma_wait3A_228] : memref<10112x64xf32, #tpu.memory_space<vmem_shared>> -> memref<10112x64xf32, #tpu.memory_space<vmem_shared>>
      tpu.wait_indirect_dma semaphore(%arg31 : memref<!tpu.dma_semaphore, #tpu.memory_space<semaphore_mem>>) src(%arg15 : memref<128x64xf32, #tpu.memory_space<vmem>>) dst(%dma_wait3A_229 : memref<10112x64xf32, #tpu.memory_space<vmem_shared>>)
      %dma_wait3A_230 = arith.constant 0 : i32
      %dma_wait3A_231 = tpu.memref_slice %arg8[%add3A_181, %dma_wait3A_230] : memref<80x128xi32, #tpu.memory_space<vmem>> -> memref<1x128xi32, #tpu.memory_space<vmem>>
      %dma_wait3A_232 = tpu.memref_squeeze %dma_wait3A_231 : memref<1x128xi32, #tpu.memory_space<vmem>> -> memref<128xi32, #tpu.memory_space<vmem>>
      %dma_wait3A_233 = arith.constant 0 : i32
      %dma_wait3A_234 = arith.constant 0 : i32
      %dma_wait3A_235 = tpu.memref_slice %arg33[%dma_wait3A_233, %dma_wait3A_234] : memref<10112x64xf32, #tpu.memory_space<vmem_shared>> -> memref<10112x64xf32, #tpu.memory_space<vmem_shared>>
      tpu.wait_indirect_dma semaphore(%arg32 : memref<!tpu.dma_semaphore, #tpu.memory_space<semaphore_mem>>) src(%arg16 : memref<128x64xf32, #tpu.memory_space<vmem>>) dst(%dma_wait3A_235 : memref<10112x64xf32, #tpu.memory_space<vmem_shared>>)
    }
    %scan3A_9 = arith.constant 10 : i32
    %barrier3A_10 = arith.constant 0 : index
    tpu.barrier barrier_id(%barrier3A_10)
    "tpu.region"() ({
      %run_scoped3A = tpu.sem_alloc : memref<!tpu.dma_semaphore, #tpu.memory_space<semaphore_mem>>
      %dma_start3A = arith.constant 0 : i32
      %dma_start3A_11 = tpu.memref_slice %arg6[%arg0, %mul3A_0, %dma_start3A] : memref<2x10112x64xf32, #tpu.memory_space<hbm>> -> memref<1x632x64xf32, #tpu.memory_space<hbm>>
      %dma_start3A_12 = tpu.memref_squeeze %dma_start3A_11 : memref<1x632x64xf32, #tpu.memory_space<hbm>> -> memref<632x64xf32, #tpu.memory_space<hbm>>
      %dma_start3A_13 = arith.constant 0 : i32
      %dma_start3A_14 = tpu.memref_slice %arg33[%mul3A_0, %dma_start3A_13] : memref<10112x64xf32, #tpu.memory_space<vmem_shared>> -> memref<632x64xf32, #tpu.memory_space<vmem_shared>>
      tpu.enqueue_dma source(%dma_start3A_14 : memref<632x64xf32, #tpu.memory_space<vmem_shared>>) target(%dma_start3A_12 : memref<632x64xf32, #tpu.memory_space<hbm>>) target_semaphore(%run_scoped3A : memref<!tpu.dma_semaphore, #tpu.memory_space<semaphore_mem>>)
      %dma_wait3A = arith.constant 0 : i32
      %dma_wait3A_15 = tpu.memref_slice %arg6[%arg0, %mul3A_0, %dma_wait3A] : memref<2x10112x64xf32, #tpu.memory_space<hbm>> -> memref<1x632x64xf32, #tpu.memory_space<hbm>>
      %dma_wait3A_16 = tpu.memref_squeeze %dma_wait3A_15 : memref<1x632x64xf32, #tpu.memory_space<hbm>> -> memref<632x64xf32, #tpu.memory_space<hbm>>
      %dma_wait3A_17 = arith.constant 0 : i32
      %dma_wait3A_18 = tpu.memref_slice %arg33[%mul3A_0, %dma_wait3A_17] : memref<10112x64xf32, #tpu.memory_space<vmem_shared>> -> memref<632x64xf32, #tpu.memory_space<vmem_shared>>
      tpu.wait_dma2 semaphore(%run_scoped3A : memref<!tpu.dma_semaphore, #tpu.memory_space<semaphore_mem>>) src(%dma_wait3A_18 : memref<632x64xf32, #tpu.memory_space<vmem_shared>>) dst(%dma_wait3A_16 : memref<632x64xf32, #tpu.memory_space<hbm>>)
      tpu.yield
    }) : () -> ()
    return
  }
}

#map = affine_map<(d0, d1) -> (0, 0)>
#map1 = affine_map<(d0, d1) -> (0, 0, 0)>
module attributes {stable_mosaic.version = 14 : i64} {
  func.func @sc_count(%arg0: i32, %arg1: i32, %arg2: memref<2560x128xi32, #tpu.memory_space<hbm>>, %arg3: memref<632x8xf32, #tpu.memory_space<hbm>>, %arg4: memref<128x8xf32, #tpu.memory_space<hbm>>, %arg5: memref<2x10112x8xf32, #tpu.memory_space<hbm>>, %arg6: memref<80x128xi32, #tpu.memory_space<vmem>>, %arg7: memref<128x8xf32, #tpu.memory_space<vmem>>, %arg8: memref<10112x8xf32, #tpu.memory_space<vmem_shared>>, %arg9: memref<!tpu.dma_semaphore, #tpu.memory_space<semaphore_mem>>) attributes {dimension_semantics = [#tpu.dimension_semantics<core_parallel>, #tpu.dimension_semantics<subcore_parallel>], iteration_bounds = array<i64: 2, 16>, scalar_prefetch = 0 : i64, scratch_operands = 4 : i64, tpu.core_type = #tpu.core_type<sc_vector_subcore>, window_params = [{transform_indices = #map}, {transform_indices = #map}, {transform_indices = #map}, {transform_indices = #map1}]} {
    %mul3A = arith.constant 632 : i32
    %mul3A_0 = arith.muli %arg1, %mul3A : i32
    "tpu.region"() ({
      %run_scoped3A = tpu.sem_alloc : memref<!tpu.dma_semaphore, #tpu.memory_space<semaphore_mem>>
      %dma_start3A = arith.constant 0 : i32
      %dma_start3A_17 = tpu.memref_slice %arg8[%mul3A_0, %dma_start3A] : memref<10112x8xf32, #tpu.memory_space<vmem_shared>> -> memref<632x8xf32, #tpu.memory_space<vmem_shared>>
      tpu.enqueue_dma source(%arg3 : memref<632x8xf32, #tpu.memory_space<hbm>>) target(%dma_start3A_17 : memref<632x8xf32, #tpu.memory_space<vmem_shared>>) target_semaphore(%run_scoped3A : memref<!tpu.dma_semaphore, #tpu.memory_space<semaphore_mem>>)
      %dma_wait3A = arith.constant 0 : i32
      %dma_wait3A_18 = tpu.memref_slice %arg8[%mul3A_0, %dma_wait3A] : memref<10112x8xf32, #tpu.memory_space<vmem_shared>> -> memref<632x8xf32, #tpu.memory_space<vmem_shared>>
      tpu.wait_dma2 semaphore(%run_scoped3A : memref<!tpu.dma_semaphore, #tpu.memory_space<semaphore_mem>>) src(%arg3 : memref<632x8xf32, #tpu.memory_space<hbm>>) dst(%dma_wait3A_18 : memref<632x8xf32, #tpu.memory_space<vmem_shared>>)
      tpu.yield
    }) : () -> ()
    "tpu.region"() ({
      %run_scoped3A = tpu.sem_alloc : memref<!tpu.dma_semaphore, #tpu.memory_space<semaphore_mem>>
      tpu.enqueue_dma source(%arg4 : memref<128x8xf32, #tpu.memory_space<hbm>>) target(%arg7 : memref<128x8xf32, #tpu.memory_space<vmem>>) target_semaphore(%run_scoped3A : memref<!tpu.dma_semaphore, #tpu.memory_space<semaphore_mem>>)
      tpu.wait_dma2 semaphore(%run_scoped3A : memref<!tpu.dma_semaphore, #tpu.memory_space<semaphore_mem>>) src(%arg4 : memref<128x8xf32, #tpu.memory_space<hbm>>) dst(%arg7 : memref<128x8xf32, #tpu.memory_space<vmem>>)
      tpu.yield
    }) : () -> ()
    %mul3A_1 = arith.constant 16 : i32
    %mul3A_2 = arith.muli %arg0, %mul3A_1 : i32
    %add3A = arith.addi %mul3A_2, %arg1 : i32
    %mul3A_3 = arith.constant 80 : i32
    %mul3A_4 = arith.muli %add3A, %mul3A_3 : i32
    "tpu.region"() ({
      %run_scoped3A = tpu.sem_alloc : memref<!tpu.dma_semaphore, #tpu.memory_space<semaphore_mem>>
      %dma_start3A = arith.constant 0 : i32
      %dma_start3A_17 = tpu.memref_slice %arg2[%mul3A_4, %dma_start3A] : memref<2560x128xi32, #tpu.memory_space<hbm>> -> memref<80x128xi32, #tpu.memory_space<hbm>>
      %dma_start3A_18 = arith.constant 0 : i32
      %dma_start3A_19 = tpu.memref_slice %arg2[%mul3A_4, %dma_start3A_18] : memref<2560x128xi32, #tpu.memory_space<hbm>> -> memref<80x128xi32, #tpu.memory_space<hbm>>
      tpu.enqueue_dma source(%dma_start3A_19 : memref<80x128xi32, #tpu.memory_space<hbm>>) target(%arg6 : memref<80x128xi32, #tpu.memory_space<vmem>>) target_semaphore(%run_scoped3A : memref<!tpu.dma_semaphore, #tpu.memory_space<semaphore_mem>>)
      %dma_wait3A = arith.constant 0 : i32
      %dma_wait3A_20 = tpu.memref_slice %arg2[%mul3A_4, %dma_wait3A] : memref<2560x128xi32, #tpu.memory_space<hbm>> -> memref<80x128xi32, #tpu.memory_space<hbm>>
      %dma_wait3A_21 = arith.constant 0 : i32
      %dma_wait3A_22 = tpu.memref_slice %arg2[%mul3A_4, %dma_wait3A_21] : memref<2560x128xi32, #tpu.memory_space<hbm>> -> memref<80x128xi32, #tpu.memory_space<hbm>>
      tpu.wait_dma2 semaphore(%run_scoped3A : memref<!tpu.dma_semaphore, #tpu.memory_space<semaphore_mem>>) src(%dma_wait3A_22 : memref<80x128xi32, #tpu.memory_space<hbm>>) dst(%arg6 : memref<80x128xi32, #tpu.memory_space<vmem>>)
      tpu.yield
    }) : () -> ()
    %barrier3A = arith.constant 0 : index
    tpu.barrier barrier_id(%barrier3A)
    %scan3A = arith.constant 0 : i32
    %scan3A_5 = arith.constant 0 : i32
    %scan3A_6 = arith.constant 80 : i32
    %scan3A_7 = arith.addi %scan3A_5, %scan3A_6 : i32
    %scan3A_8 = arith.constant 1 : i32
    scf.for %scan3A_17 = %scan3A_5 to %scan3A_7 step %scan3A_8  : i32 {
      %dma_start3A = arith.constant 0 : i32
      %dma_start3A_18 = tpu.memref_slice %arg6[%scan3A_17, %dma_start3A] : memref<80x128xi32, #tpu.memory_space<vmem>> -> memref<1x128xi32, #tpu.memory_space<vmem>>
      %dma_start3A_19 = tpu.memref_squeeze %dma_start3A_18 : memref<1x128xi32, #tpu.memory_space<vmem>> -> memref<128xi32, #tpu.memory_space<vmem>>
      %dma_start3A_20 = arith.constant 0 : i32
      %dma_start3A_21 = arith.constant 0 : i32
      %dma_start3A_22 = tpu.memref_slice %arg8[%dma_start3A_20, %dma_start3A_21] : memref<10112x8xf32, #tpu.memory_space<vmem_shared>> -> memref<10112x8xf32, #tpu.memory_space<vmem_shared>>
      tpu.enqueue_indirect_dma source(%arg7 : memref<128x8xf32, #tpu.memory_space<vmem>>) target(%dma_start3A_22 : memref<10112x8xf32, #tpu.memory_space<vmem_shared>>) offsets(%dma_start3A_19 : memref<128xi32, #tpu.memory_space<vmem>>) semaphore(%arg9 : memref<!tpu.dma_semaphore, #tpu.memory_space<semaphore_mem>>) {add = true}
    }
    %scan3A_9 = arith.constant 80 : i32
    %scan3A_10 = arith.constant 0 : i32
    %scan3A_11 = arith.constant 0 : i32
    %scan3A_12 = arith.constant 80 : i32
    %scan3A_13 = arith.addi %scan3A_11, %scan3A_12 : i32
    %scan3A_14 = arith.constant 1 : i32
    scf.for %scan3A_17 = %scan3A_11 to %scan3A_13 step %scan3A_14  : i32 {
      %dma_wait3A = arith.constant 0 : i32
      %dma_wait3A_18 = tpu.memref_slice %arg6[%scan3A_17, %dma_wait3A] : memref<80x128xi32, #tpu.memory_space<vmem>> -> memref<1x128xi32, #tpu.memory_space<vmem>>
      %dma_wait3A_19 = tpu.memref_squeeze %dma_wait3A_18 : memref<1x128xi32, #tpu.memory_space<vmem>> -> memref<128xi32, #tpu.memory_space<vmem>>
      %dma_wait3A_20 = arith.constant 0 : i32
      %dma_wait3A_21 = arith.constant 0 : i32
      %dma_wait3A_22 = tpu.memref_slice %arg8[%dma_wait3A_20, %dma_wait3A_21] : memref<10112x8xf32, #tpu.memory_space<vmem_shared>> -> memref<10112x8xf32, #tpu.memory_space<vmem_shared>>
      tpu.wait_indirect_dma semaphore(%arg9 : memref<!tpu.dma_semaphore, #tpu.memory_space<semaphore_mem>>) src(%arg7 : memref<128x8xf32, #tpu.memory_space<vmem>>) dst(%dma_wait3A_22 : memref<10112x8xf32, #tpu.memory_space<vmem_shared>>)
    }
    %scan3A_15 = arith.constant 80 : i32
    %barrier3A_16 = arith.constant 0 : index
    tpu.barrier barrier_id(%barrier3A_16)
    "tpu.region"() ({
      %run_scoped3A = tpu.sem_alloc : memref<!tpu.dma_semaphore, #tpu.memory_space<semaphore_mem>>
      %dma_start3A = arith.constant 0 : i32
      %dma_start3A_17 = tpu.memref_slice %arg5[%arg0, %mul3A_0, %dma_start3A] : memref<2x10112x8xf32, #tpu.memory_space<hbm>> -> memref<1x632x8xf32, #tpu.memory_space<hbm>>
      %dma_start3A_18 = tpu.memref_squeeze %dma_start3A_17 : memref<1x632x8xf32, #tpu.memory_space<hbm>> -> memref<632x8xf32, #tpu.memory_space<hbm>>
      %dma_start3A_19 = arith.constant 0 : i32
      %dma_start3A_20 = tpu.memref_slice %arg8[%mul3A_0, %dma_start3A_19] : memref<10112x8xf32, #tpu.memory_space<vmem_shared>> -> memref<632x8xf32, #tpu.memory_space<vmem_shared>>
      tpu.enqueue_dma source(%dma_start3A_20 : memref<632x8xf32, #tpu.memory_space<vmem_shared>>) target(%dma_start3A_18 : memref<632x8xf32, #tpu.memory_space<hbm>>) target_semaphore(%run_scoped3A : memref<!tpu.dma_semaphore, #tpu.memory_space<semaphore_mem>>)
      %dma_wait3A = arith.constant 0 : i32
      %dma_wait3A_21 = tpu.memref_slice %arg5[%arg0, %mul3A_0, %dma_wait3A] : memref<2x10112x8xf32, #tpu.memory_space<hbm>> -> memref<1x632x8xf32, #tpu.memory_space<hbm>>
      %dma_wait3A_22 = tpu.memref_squeeze %dma_wait3A_21 : memref<1x632x8xf32, #tpu.memory_space<hbm>> -> memref<632x8xf32, #tpu.memory_space<hbm>>
      %dma_wait3A_23 = arith.constant 0 : i32
      %dma_wait3A_24 = tpu.memref_slice %arg8[%mul3A_0, %dma_wait3A_23] : memref<10112x8xf32, #tpu.memory_space<vmem_shared>> -> memref<632x8xf32, #tpu.memory_space<vmem_shared>>
      tpu.wait_dma2 semaphore(%run_scoped3A : memref<!tpu.dma_semaphore, #tpu.memory_space<semaphore_mem>>) src(%dma_wait3A_24 : memref<632x8xf32, #tpu.memory_space<vmem_shared>>) dst(%dma_wait3A_22 : memref<632x8xf32, #tpu.memory_space<hbm>>)
      tpu.yield
    }) : () -> ()
    return
  }
}

#map = affine_map<(d0, d1) -> (0, 0)>
#map1 = affine_map<(d0, d1) -> (0, 0, 0)>
module attributes {stable_mosaic.version = 14 : i64} {
  func.func @sc_edge(%arg0: i32, %arg1: i32, %arg2: memref<2560x128xi32, #tpu.memory_space<hbm>>, %arg3: memref<2560x128xi32, #tpu.memory_space<hbm>>, %arg4: memref<10000x64xf32, #tpu.memory_space<hbm>>, %arg5: memref<632x64xf32, #tpu.memory_space<hbm>>, %arg6: memref<2x10112x64xf32, #tpu.memory_space<hbm>>, %arg7: memref<80x128xi32, #tpu.memory_space<vmem>>, %arg8: memref<80x128xi32, #tpu.memory_space<vmem>>, %arg9: memref<128x64xf32, #tpu.memory_space<vmem>>, %arg10: memref<128x64xf32, #tpu.memory_space<vmem>>, %arg11: memref<128x64xf32, #tpu.memory_space<vmem>>, %arg12: memref<128x64xf32, #tpu.memory_space<vmem>>, %arg13: memref<128x64xf32, #tpu.memory_space<vmem>>, %arg14: memref<128x64xf32, #tpu.memory_space<vmem>>, %arg15: memref<128x64xf32, #tpu.memory_space<vmem>>, %arg16: memref<128x64xf32, #tpu.memory_space<vmem>>, %arg17: memref<!tpu.dma_semaphore, #tpu.memory_space<semaphore_mem>>, %arg18: memref<!tpu.dma_semaphore, #tpu.memory_space<semaphore_mem>>, %arg19: memref<!tpu.dma_semaphore, #tpu.memory_space<semaphore_mem>>, %arg20: memref<!tpu.dma_semaphore, #tpu.memory_space<semaphore_mem>>, %arg21: memref<!tpu.dma_semaphore, #tpu.memory_space<semaphore_mem>>, %arg22: memref<!tpu.dma_semaphore, #tpu.memory_space<semaphore_mem>>, %arg23: memref<!tpu.dma_semaphore, #tpu.memory_space<semaphore_mem>>, %arg24: memref<!tpu.dma_semaphore, #tpu.memory_space<semaphore_mem>>, %arg25: memref<!tpu.dma_semaphore, #tpu.memory_space<semaphore_mem>>, %arg26: memref<!tpu.dma_semaphore, #tpu.memory_space<semaphore_mem>>, %arg27: memref<!tpu.dma_semaphore, #tpu.memory_space<semaphore_mem>>, %arg28: memref<!tpu.dma_semaphore, #tpu.memory_space<semaphore_mem>>, %arg29: memref<!tpu.dma_semaphore, #tpu.memory_space<semaphore_mem>>, %arg30: memref<!tpu.dma_semaphore, #tpu.memory_space<semaphore_mem>>, %arg31: memref<!tpu.dma_semaphore, #tpu.memory_space<semaphore_mem>>, %arg32: memref<!tpu.dma_semaphore, #tpu.memory_space<semaphore_mem>>, %arg33: memref<10112x64xf32, #tpu.memory_space<vmem_shared>>) attributes {dimension_semantics = [#tpu.dimension_semantics<core_parallel>, #tpu.dimension_semantics<subcore_parallel>], iteration_bounds = array<i64: 2, 16>, scalar_prefetch = 0 : i64, scratch_operands = 27 : i64, tpu.core_type = #tpu.core_type<sc_vector_subcore>, window_params = [{transform_indices = #map}, {transform_indices = #map}, {transform_indices = #map}, {transform_indices = #map}, {transform_indices = #map1}]} {
    %mul3A = arith.constant 632 : i32
    %mul3A_0 = arith.muli %arg1, %mul3A : i32
    "tpu.region"() ({
      %run_scoped3A = tpu.sem_alloc : memref<!tpu.dma_semaphore, #tpu.memory_space<semaphore_mem>>
      %dma_start3A = arith.constant 0 : i32
      %dma_start3A_11 = tpu.memref_slice %arg33[%mul3A_0, %dma_start3A] : memref<10112x64xf32, #tpu.memory_space<vmem_shared>> -> memref<632x64xf32, #tpu.memory_space<vmem_shared>>
      tpu.enqueue_dma source(%arg5 : memref<632x64xf32, #tpu.memory_space<hbm>>) target(%dma_start3A_11 : memref<632x64xf32, #tpu.memory_space<vmem_shared>>) target_semaphore(%run_scoped3A : memref<!tpu.dma_semaphore, #tpu.memory_space<semaphore_mem>>)
      %dma_wait3A = arith.constant 0 : i32
      %dma_wait3A_12 = tpu.memref_slice %arg33[%mul3A_0, %dma_wait3A] : memref<10112x64xf32, #tpu.memory_space<vmem_shared>> -> memref<632x64xf32, #tpu.memory_space<vmem_shared>>
      tpu.wait_dma2 semaphore(%run_scoped3A : memref<!tpu.dma_semaphore, #tpu.memory_space<semaphore_mem>>) src(%arg5 : memref<632x64xf32, #tpu.memory_space<hbm>>) dst(%dma_wait3A_12 : memref<632x64xf32, #tpu.memory_space<vmem_shared>>)
      tpu.yield
    }) : () -> ()
    %mul3A_1 = arith.constant 16 : i32
    %mul3A_2 = arith.muli %arg0, %mul3A_1 : i32
    %add3A = arith.addi %mul3A_2, %arg1 : i32
    %mul3A_3 = arith.constant 80 : i32
    %mul3A_4 = arith.muli %add3A, %mul3A_3 : i32
    "tpu.region"() ({
      %run_scoped3A = tpu.sem_alloc : memref<!tpu.dma_semaphore, #tpu.memory_space<semaphore_mem>>
      %dma_start3A = arith.constant 0 : i32
      %dma_start3A_11 = tpu.memref_slice %arg2[%mul3A_4, %dma_start3A] : memref<2560x128xi32, #tpu.memory_space<hbm>> -> memref<80x128xi32, #tpu.memory_space<hbm>>
      %dma_start3A_12 = arith.constant 0 : i32
      %dma_start3A_13 = tpu.memref_slice %arg2[%mul3A_4, %dma_start3A_12] : memref<2560x128xi32, #tpu.memory_space<hbm>> -> memref<80x128xi32, #tpu.memory_space<hbm>>
      tpu.enqueue_dma source(%dma_start3A_13 : memref<80x128xi32, #tpu.memory_space<hbm>>) target(%arg7 : memref<80x128xi32, #tpu.memory_space<vmem>>) target_semaphore(%run_scoped3A : memref<!tpu.dma_semaphore, #tpu.memory_space<semaphore_mem>>)
      %dma_wait3A = arith.constant 0 : i32
      %dma_wait3A_14 = tpu.memref_slice %arg2[%mul3A_4, %dma_wait3A] : memref<2560x128xi32, #tpu.memory_space<hbm>> -> memref<80x128xi32, #tpu.memory_space<hbm>>
      %dma_wait3A_15 = arith.constant 0 : i32
      %dma_wait3A_16 = tpu.memref_slice %arg2[%mul3A_4, %dma_wait3A_15] : memref<2560x128xi32, #tpu.memory_space<hbm>> -> memref<80x128xi32, #tpu.memory_space<hbm>>
      tpu.wait_dma2 semaphore(%run_scoped3A : memref<!tpu.dma_semaphore, #tpu.memory_space<semaphore_mem>>) src(%dma_wait3A_16 : memref<80x128xi32, #tpu.memory_space<hbm>>) dst(%arg7 : memref<80x128xi32, #tpu.memory_space<vmem>>)
      tpu.yield
    }) : () -> ()
    "tpu.region"() ({
      %run_scoped3A = tpu.sem_alloc : memref<!tpu.dma_semaphore, #tpu.memory_space<semaphore_mem>>
      %dma_start3A = arith.constant 0 : i32
      %dma_start3A_11 = tpu.memref_slice %arg3[%mul3A_4, %dma_start3A] : memref<2560x128xi32, #tpu.memory_space<hbm>> -> memref<80x128xi32, #tpu.memory_space<hbm>>
      %dma_start3A_12 = arith.constant 0 : i32
      %dma_start3A_13 = tpu.memref_slice %arg3[%mul3A_4, %dma_start3A_12] : memref<2560x128xi32, #tpu.memory_space<hbm>> -> memref<80x128xi32, #tpu.memory_space<hbm>>
      tpu.enqueue_dma source(%dma_start3A_13 : memref<80x128xi32, #tpu.memory_space<hbm>>) target(%arg8 : memref<80x128xi32, #tpu.memory_space<vmem>>) target_semaphore(%run_scoped3A : memref<!tpu.dma_semaphore, #tpu.memory_space<semaphore_mem>>)
      %dma_wait3A = arith.constant 0 : i32
      %dma_wait3A_14 = tpu.memref_slice %arg3[%mul3A_4, %dma_wait3A] : memref<2560x128xi32, #tpu.memory_space<hbm>> -> memref<80x128xi32, #tpu.memory_space<hbm>>
      %dma_wait3A_15 = arith.constant 0 : i32
      %dma_wait3A_16 = tpu.memref_slice %arg3[%mul3A_4, %dma_wait3A_15] : memref<2560x128xi32, #tpu.memory_space<hbm>> -> memref<80x128xi32, #tpu.memory_space<hbm>>
      tpu.wait_dma2 semaphore(%run_scoped3A : memref<!tpu.dma_semaphore, #tpu.memory_space<semaphore_mem>>) src(%dma_wait3A_16 : memref<80x128xi32, #tpu.memory_space<hbm>>) dst(%arg8 : memref<80x128xi32, #tpu.memory_space<vmem>>)
      tpu.yield
    }) : () -> ()
    %barrier3A = arith.constant 0 : index
    tpu.barrier barrier_id(%barrier3A)
    %scan3A = arith.constant 0 : i32
    %scan3A_5 = arith.constant 0 : i32
    %scan3A_6 = arith.constant 10 : i32
    %scan3A_7 = arith.addi %scan3A_5, %scan3A_6 : i32
    %scan3A_8 = arith.constant 1 : i32
    scf.for %scan3A_11 = %scan3A_5 to %scan3A_7 step %scan3A_8  : i32 {
      %mul3A_12 = arith.constant 8 : i32
      %mul3A_13 = arith.muli %scan3A_11, %mul3A_12 : i32
      %add3A_14 = arith.constant 0 : i32
      %add3A_15 = arith.addi %mul3A_13, %add3A_14 : i32
      %dma_start3A = arith.constant 0 : i32
      %dma_start3A_16 = tpu.memref_slice %arg7[%add3A_15, %dma_start3A] : memref<80x128xi32, #tpu.memory_space<vmem>> -> memref<1x128xi32, #tpu.memory_space<vmem>>
      %dma_start3A_17 = tpu.memref_squeeze %dma_start3A_16 : memref<1x128xi32, #tpu.memory_space<vmem>> -> memref<128xi32, #tpu.memory_space<vmem>>
      %dma_start3A_18 = arith.constant 0 : i32
      %dma_start3A_19 = arith.constant 0 : i32
      %dma_start3A_20 = tpu.memref_slice %arg4[%dma_start3A_18, %dma_start3A_19] : memref<10000x64xf32, #tpu.memory_space<hbm>> -> memref<10000x64xf32, #tpu.memory_space<hbm>>
      tpu.enqueue_indirect_dma source(%dma_start3A_20 : memref<10000x64xf32, #tpu.memory_space<hbm>>) target(%arg9 : memref<128x64xf32, #tpu.memory_space<vmem>>) offsets(%dma_start3A_17 : memref<128xi32, #tpu.memory_space<vmem>>) semaphore(%arg17 : memref<!tpu.dma_semaphore, #tpu.memory_space<semaphore_mem>>)
      %add3A_21 = arith.constant 1 : i32
      %add3A_22 = arith.addi %mul3A_13, %add3A_21 : i32
      %dma_start3A_23 = arith.constant 0 : i32
      %dma_start3A_24 = tpu.memref_slice %arg7[%add3A_22, %dma_start3A_23] : memref<80x128xi32, #tpu.memory_space<vmem>> -> memref<1x128xi32, #tpu.memory_space<vmem>>
      %dma_start3A_25 = tpu.memref_squeeze %dma_start3A_24 : memref<1x128xi32, #tpu.memory_space<vmem>> -> memref<128xi32, #tpu.memory_space<vmem>>
      %dma_start3A_26 = arith.constant 0 : i32
      %dma_start3A_27 = arith.constant 0 : i32
      %dma_start3A_28 = tpu.memref_slice %arg4[%dma_start3A_26, %dma_start3A_27] : memref<10000x64xf32, #tpu.memory_space<hbm>> -> memref<10000x64xf32, #tpu.memory_space<hbm>>
      tpu.enqueue_indirect_dma source(%dma_start3A_28 : memref<10000x64xf32, #tpu.memory_space<hbm>>) target(%arg10 : memref<128x64xf32, #tpu.memory_space<vmem>>) offsets(%dma_start3A_25 : memref<128xi32, #tpu.memory_space<vmem>>) semaphore(%arg18 : memref<!tpu.dma_semaphore, #tpu.memory_space<semaphore_mem>>)
      %add3A_29 = arith.constant 2 : i32
      %add3A_30 = arith.addi %mul3A_13, %add3A_29 : i32
      %dma_start3A_31 = arith.constant 0 : i32
      %dma_start3A_32 = tpu.memref_slice %arg7[%add3A_30, %dma_start3A_31] : memref<80x128xi32, #tpu.memory_space<vmem>> -> memref<1x128xi32, #tpu.memory_space<vmem>>
      %dma_start3A_33 = tpu.memref_squeeze %dma_start3A_32 : memref<1x128xi32, #tpu.memory_space<vmem>> -> memref<128xi32, #tpu.memory_space<vmem>>
      %dma_start3A_34 = arith.constant 0 : i32
      %dma_start3A_35 = arith.constant 0 : i32
      %dma_start3A_36 = tpu.memref_slice %arg4[%dma_start3A_34, %dma_start3A_35] : memref<10000x64xf32, #tpu.memory_space<hbm>> -> memref<10000x64xf32, #tpu.memory_space<hbm>>
      tpu.enqueue_indirect_dma source(%dma_start3A_36 : memref<10000x64xf32, #tpu.memory_space<hbm>>) target(%arg11 : memref<128x64xf32, #tpu.memory_space<vmem>>) offsets(%dma_start3A_33 : memref<128xi32, #tpu.memory_space<vmem>>) semaphore(%arg19 : memref<!tpu.dma_semaphore, #tpu.memory_space<semaphore_mem>>)
      %add3A_37 = arith.constant 3 : i32
      %add3A_38 = arith.addi %mul3A_13, %add3A_37 : i32
      %dma_start3A_39 = arith.constant 0 : i32
      %dma_start3A_40 = tpu.memref_slice %arg7[%add3A_38, %dma_start3A_39] : memref<80x128xi32, #tpu.memory_space<vmem>> -> memref<1x128xi32, #tpu.memory_space<vmem>>
      %dma_start3A_41 = tpu.memref_squeeze %dma_start3A_40 : memref<1x128xi32, #tpu.memory_space<vmem>> -> memref<128xi32, #tpu.memory_space<vmem>>
      %dma_start3A_42 = arith.constant 0 : i32
      %dma_start3A_43 = arith.constant 0 : i32
      %dma_start3A_44 = tpu.memref_slice %arg4[%dma_start3A_42, %dma_start3A_43] : memref<10000x64xf32, #tpu.memory_space<hbm>> -> memref<10000x64xf32, #tpu.memory_space<hbm>>
      tpu.enqueue_indirect_dma source(%dma_start3A_44 : memref<10000x64xf32, #tpu.memory_space<hbm>>) target(%arg12 : memref<128x64xf32, #tpu.memory_space<vmem>>) offsets(%dma_start3A_41 : memref<128xi32, #tpu.memory_space<vmem>>) semaphore(%arg20 : memref<!tpu.dma_semaphore, #tpu.memory_space<semaphore_mem>>)
      %add3A_45 = arith.constant 4 : i32
      %add3A_46 = arith.addi %mul3A_13, %add3A_45 : i32
      %dma_start3A_47 = arith.constant 0 : i32
      %dma_start3A_48 = tpu.memref_slice %arg7[%add3A_46, %dma_start3A_47] : memref<80x128xi32, #tpu.memory_space<vmem>> -> memref<1x128xi32, #tpu.memory_space<vmem>>
      %dma_start3A_49 = tpu.memref_squeeze %dma_start3A_48 : memref<1x128xi32, #tpu.memory_space<vmem>> -> memref<128xi32, #tpu.memory_space<vmem>>
      %dma_start3A_50 = arith.constant 0 : i32
      %dma_start3A_51 = arith.constant 0 : i32
      %dma_start3A_52 = tpu.memref_slice %arg4[%dma_start3A_50, %dma_start3A_51] : memref<10000x64xf32, #tpu.memory_space<hbm>> -> memref<10000x64xf32, #tpu.memory_space<hbm>>
      tpu.enqueue_indirect_dma source(%dma_start3A_52 : memref<10000x64xf32, #tpu.memory_space<hbm>>) target(%arg13 : memref<128x64xf32, #tpu.memory_space<vmem>>) offsets(%dma_start3A_49 : memref<128xi32, #tpu.memory_space<vmem>>) semaphore(%arg21 : memref<!tpu.dma_semaphore, #tpu.memory_space<semaphore_mem>>)
      %add3A_53 = arith.constant 5 : i32
      %add3A_54 = arith.addi %mul3A_13, %add3A_53 : i32
      %dma_start3A_55 = arith.constant 0 : i32
      %dma_start3A_56 = tpu.memref_slice %arg7[%add3A_54, %dma_start3A_55] : memref<80x128xi32, #tpu.memory_space<vmem>> -> memref<1x128xi32, #tpu.memory_space<vmem>>
      %dma_start3A_57 = tpu.memref_squeeze %dma_start3A_56 : memref<1x128xi32, #tpu.memory_space<vmem>> -> memref<128xi32, #tpu.memory_space<vmem>>
      %dma_start3A_58 = arith.constant 0 : i32
      %dma_start3A_59 = arith.constant 0 : i32
      %dma_start3A_60 = tpu.memref_slice %arg4[%dma_start3A_58, %dma_start3A_59] : memref<10000x64xf32, #tpu.memory_space<hbm>> -> memref<10000x64xf32, #tpu.memory_space<hbm>>
      tpu.enqueue_indirect_dma source(%dma_start3A_60 : memref<10000x64xf32, #tpu.memory_space<hbm>>) target(%arg14 : memref<128x64xf32, #tpu.memory_space<vmem>>) offsets(%dma_start3A_57 : memref<128xi32, #tpu.memory_space<vmem>>) semaphore(%arg22 : memref<!tpu.dma_semaphore, #tpu.memory_space<semaphore_mem>>)
      %add3A_61 = arith.constant 6 : i32
      %add3A_62 = arith.addi %mul3A_13, %add3A_61 : i32
      %dma_start3A_63 = arith.constant 0 : i32
      %dma_start3A_64 = tpu.memref_slice %arg7[%add3A_62, %dma_start3A_63] : memref<80x128xi32, #tpu.memory_space<vmem>> -> memref<1x128xi32, #tpu.memory_space<vmem>>
      %dma_start3A_65 = tpu.memref_squeeze %dma_start3A_64 : memref<1x128xi32, #tpu.memory_space<vmem>> -> memref<128xi32, #tpu.memory_space<vmem>>
      %dma_start3A_66 = arith.constant 0 : i32
      %dma_start3A_67 = arith.constant 0 : i32
      %dma_start3A_68 = tpu.memref_slice %arg4[%dma_start3A_66, %dma_start3A_67] : memref<10000x64xf32, #tpu.memory_space<hbm>> -> memref<10000x64xf32, #tpu.memory_space<hbm>>
      tpu.enqueue_indirect_dma source(%dma_start3A_68 : memref<10000x64xf32, #tpu.memory_space<hbm>>) target(%arg15 : memref<128x64xf32, #tpu.memory_space<vmem>>) offsets(%dma_start3A_65 : memref<128xi32, #tpu.memory_space<vmem>>) semaphore(%arg23 : memref<!tpu.dma_semaphore, #tpu.memory_space<semaphore_mem>>)
      %add3A_69 = arith.constant 7 : i32
      %add3A_70 = arith.addi %mul3A_13, %add3A_69 : i32
      %dma_start3A_71 = arith.constant 0 : i32
      %dma_start3A_72 = tpu.memref_slice %arg7[%add3A_70, %dma_start3A_71] : memref<80x128xi32, #tpu.memory_space<vmem>> -> memref<1x128xi32, #tpu.memory_space<vmem>>
      %dma_start3A_73 = tpu.memref_squeeze %dma_start3A_72 : memref<1x128xi32, #tpu.memory_space<vmem>> -> memref<128xi32, #tpu.memory_space<vmem>>
      %dma_start3A_74 = arith.constant 0 : i32
      %dma_start3A_75 = arith.constant 0 : i32
      %dma_start3A_76 = tpu.memref_slice %arg4[%dma_start3A_74, %dma_start3A_75] : memref<10000x64xf32, #tpu.memory_space<hbm>> -> memref<10000x64xf32, #tpu.memory_space<hbm>>
      tpu.enqueue_indirect_dma source(%dma_start3A_76 : memref<10000x64xf32, #tpu.memory_space<hbm>>) target(%arg16 : memref<128x64xf32, #tpu.memory_space<vmem>>) offsets(%dma_start3A_73 : memref<128xi32, #tpu.memory_space<vmem>>) semaphore(%arg24 : memref<!tpu.dma_semaphore, #tpu.memory_space<semaphore_mem>>)
      %dma_wait3A = arith.constant 0 : i32
      %dma_wait3A_77 = tpu.memref_slice %arg7[%add3A_15, %dma_wait3A] : memref<80x128xi32, #tpu.memory_space<vmem>> -> memref<1x128xi32, #tpu.memory_space<vmem>>
      %dma_wait3A_78 = tpu.memref_squeeze %dma_wait3A_77 : memref<1x128xi32, #tpu.memory_space<vmem>> -> memref<128xi32, #tpu.memory_space<vmem>>
      %dma_wait3A_79 = arith.constant 0 : i32
      %dma_wait3A_80 = arith.constant 0 : i32
      %dma_wait3A_81 = tpu.memref_slice %arg4[%dma_wait3A_79, %dma_wait3A_80] : memref<10000x64xf32, #tpu.memory_space<hbm>> -> memref<10000x64xf32, #tpu.memory_space<hbm>>
      tpu.wait_indirect_dma semaphore(%arg17 : memref<!tpu.dma_semaphore, #tpu.memory_space<semaphore_mem>>) src(%dma_wait3A_81 : memref<10000x64xf32, #tpu.memory_space<hbm>>) dst(%arg9 : memref<128x64xf32, #tpu.memory_space<vmem>>)
      %add3A_82 = arith.constant 0 : i32
      %add3A_83 = arith.addi %mul3A_13, %add3A_82 : i32
      %dma_start3A_84 = arith.constant 0 : i32
      %dma_start3A_85 = tpu.memref_slice %arg8[%add3A_83, %dma_start3A_84] : memref<80x128xi32, #tpu.memory_space<vmem>> -> memref<1x128xi32, #tpu.memory_space<vmem>>
      %dma_start3A_86 = tpu.memref_squeeze %dma_start3A_85 : memref<1x128xi32, #tpu.memory_space<vmem>> -> memref<128xi32, #tpu.memory_space<vmem>>
      %dma_start3A_87 = arith.constant 0 : i32
      %dma_start3A_88 = arith.constant 0 : i32
      %dma_start3A_89 = tpu.memref_slice %arg33[%dma_start3A_87, %dma_start3A_88] : memref<10112x64xf32, #tpu.memory_space<vmem_shared>> -> memref<10112x64xf32, #tpu.memory_space<vmem_shared>>
      tpu.enqueue_indirect_dma source(%arg9 : memref<128x64xf32, #tpu.memory_space<vmem>>) target(%dma_start3A_89 : memref<10112x64xf32, #tpu.memory_space<vmem_shared>>) offsets(%dma_start3A_86 : memref<128xi32, #tpu.memory_space<vmem>>) semaphore(%arg25 : memref<!tpu.dma_semaphore, #tpu.memory_space<semaphore_mem>>) {add = true}
      %dma_wait3A_90 = arith.constant 0 : i32
      %dma_wait3A_91 = tpu.memref_slice %arg7[%add3A_22, %dma_wait3A_90] : memref<80x128xi32, #tpu.memory_space<vmem>> -> memref<1x128xi32, #tpu.memory_space<vmem>>
      %dma_wait3A_92 = tpu.memref_squeeze %dma_wait3A_91 : memref<1x128xi32, #tpu.memory_space<vmem>> -> memref<128xi32, #tpu.memory_space<vmem>>
      %dma_wait3A_93 = arith.constant 0 : i32
      %dma_wait3A_94 = arith.constant 0 : i32
      %dma_wait3A_95 = tpu.memref_slice %arg4[%dma_wait3A_93, %dma_wait3A_94] : memref<10000x64xf32, #tpu.memory_space<hbm>> -> memref<10000x64xf32, #tpu.memory_space<hbm>>
      tpu.wait_indirect_dma semaphore(%arg18 : memref<!tpu.dma_semaphore, #tpu.memory_space<semaphore_mem>>) src(%dma_wait3A_95 : memref<10000x64xf32, #tpu.memory_space<hbm>>) dst(%arg10 : memref<128x64xf32, #tpu.memory_space<vmem>>)
      %add3A_96 = arith.constant 1 : i32
      %add3A_97 = arith.addi %mul3A_13, %add3A_96 : i32
      %dma_start3A_98 = arith.constant 0 : i32
      %dma_start3A_99 = tpu.memref_slice %arg8[%add3A_97, %dma_start3A_98] : memref<80x128xi32, #tpu.memory_space<vmem>> -> memref<1x128xi32, #tpu.memory_space<vmem>>
      %dma_start3A_100 = tpu.memref_squeeze %dma_start3A_99 : memref<1x128xi32, #tpu.memory_space<vmem>> -> memref<128xi32, #tpu.memory_space<vmem>>
      %dma_start3A_101 = arith.constant 0 : i32
      %dma_start3A_102 = arith.constant 0 : i32
      %dma_start3A_103 = tpu.memref_slice %arg33[%dma_start3A_101, %dma_start3A_102] : memref<10112x64xf32, #tpu.memory_space<vmem_shared>> -> memref<10112x64xf32, #tpu.memory_space<vmem_shared>>
      tpu.enqueue_indirect_dma source(%arg10 : memref<128x64xf32, #tpu.memory_space<vmem>>) target(%dma_start3A_103 : memref<10112x64xf32, #tpu.memory_space<vmem_shared>>) offsets(%dma_start3A_100 : memref<128xi32, #tpu.memory_space<vmem>>) semaphore(%arg26 : memref<!tpu.dma_semaphore, #tpu.memory_space<semaphore_mem>>) {add = true}
      %dma_wait3A_104 = arith.constant 0 : i32
      %dma_wait3A_105 = tpu.memref_slice %arg7[%add3A_30, %dma_wait3A_104] : memref<80x128xi32, #tpu.memory_space<vmem>> -> memref<1x128xi32, #tpu.memory_space<vmem>>
      %dma_wait3A_106 = tpu.memref_squeeze %dma_wait3A_105 : memref<1x128xi32, #tpu.memory_space<vmem>> -> memref<128xi32, #tpu.memory_space<vmem>>
      %dma_wait3A_107 = arith.constant 0 : i32
      %dma_wait3A_108 = arith.constant 0 : i32
      %dma_wait3A_109 = tpu.memref_slice %arg4[%dma_wait3A_107, %dma_wait3A_108] : memref<10000x64xf32, #tpu.memory_space<hbm>> -> memref<10000x64xf32, #tpu.memory_space<hbm>>
      tpu.wait_indirect_dma semaphore(%arg19 : memref<!tpu.dma_semaphore, #tpu.memory_space<semaphore_mem>>) src(%dma_wait3A_109 : memref<10000x64xf32, #tpu.memory_space<hbm>>) dst(%arg11 : memref<128x64xf32, #tpu.memory_space<vmem>>)
      %add3A_110 = arith.constant 2 : i32
      %add3A_111 = arith.addi %mul3A_13, %add3A_110 : i32
      %dma_start3A_112 = arith.constant 0 : i32
      %dma_start3A_113 = tpu.memref_slice %arg8[%add3A_111, %dma_start3A_112] : memref<80x128xi32, #tpu.memory_space<vmem>> -> memref<1x128xi32, #tpu.memory_space<vmem>>
      %dma_start3A_114 = tpu.memref_squeeze %dma_start3A_113 : memref<1x128xi32, #tpu.memory_space<vmem>> -> memref<128xi32, #tpu.memory_space<vmem>>
      %dma_start3A_115 = arith.constant 0 : i32
      %dma_start3A_116 = arith.constant 0 : i32
      %dma_start3A_117 = tpu.memref_slice %arg33[%dma_start3A_115, %dma_start3A_116] : memref<10112x64xf32, #tpu.memory_space<vmem_shared>> -> memref<10112x64xf32, #tpu.memory_space<vmem_shared>>
      tpu.enqueue_indirect_dma source(%arg11 : memref<128x64xf32, #tpu.memory_space<vmem>>) target(%dma_start3A_117 : memref<10112x64xf32, #tpu.memory_space<vmem_shared>>) offsets(%dma_start3A_114 : memref<128xi32, #tpu.memory_space<vmem>>) semaphore(%arg27 : memref<!tpu.dma_semaphore, #tpu.memory_space<semaphore_mem>>) {add = true}
      %dma_wait3A_118 = arith.constant 0 : i32
      %dma_wait3A_119 = tpu.memref_slice %arg7[%add3A_38, %dma_wait3A_118] : memref<80x128xi32, #tpu.memory_space<vmem>> -> memref<1x128xi32, #tpu.memory_space<vmem>>
      %dma_wait3A_120 = tpu.memref_squeeze %dma_wait3A_119 : memref<1x128xi32, #tpu.memory_space<vmem>> -> memref<128xi32, #tpu.memory_space<vmem>>
      %dma_wait3A_121 = arith.constant 0 : i32
      %dma_wait3A_122 = arith.constant 0 : i32
      %dma_wait3A_123 = tpu.memref_slice %arg4[%dma_wait3A_121, %dma_wait3A_122] : memref<10000x64xf32, #tpu.memory_space<hbm>> -> memref<10000x64xf32, #tpu.memory_space<hbm>>
      tpu.wait_indirect_dma semaphore(%arg20 : memref<!tpu.dma_semaphore, #tpu.memory_space<semaphore_mem>>) src(%dma_wait3A_123 : memref<10000x64xf32, #tpu.memory_space<hbm>>) dst(%arg12 : memref<128x64xf32, #tpu.memory_space<vmem>>)
      %add3A_124 = arith.constant 3 : i32
      %add3A_125 = arith.addi %mul3A_13, %add3A_124 : i32
      %dma_start3A_126 = arith.constant 0 : i32
      %dma_start3A_127 = tpu.memref_slice %arg8[%add3A_125, %dma_start3A_126] : memref<80x128xi32, #tpu.memory_space<vmem>> -> memref<1x128xi32, #tpu.memory_space<vmem>>
      %dma_start3A_128 = tpu.memref_squeeze %dma_start3A_127 : memref<1x128xi32, #tpu.memory_space<vmem>> -> memref<128xi32, #tpu.memory_space<vmem>>
      %dma_start3A_129 = arith.constant 0 : i32
      %dma_start3A_130 = arith.constant 0 : i32
      %dma_start3A_131 = tpu.memref_slice %arg33[%dma_start3A_129, %dma_start3A_130] : memref<10112x64xf32, #tpu.memory_space<vmem_shared>> -> memref<10112x64xf32, #tpu.memory_space<vmem_shared>>
      tpu.enqueue_indirect_dma source(%arg12 : memref<128x64xf32, #tpu.memory_space<vmem>>) target(%dma_start3A_131 : memref<10112x64xf32, #tpu.memory_space<vmem_shared>>) offsets(%dma_start3A_128 : memref<128xi32, #tpu.memory_space<vmem>>) semaphore(%arg28 : memref<!tpu.dma_semaphore, #tpu.memory_space<semaphore_mem>>) {add = true}
      %dma_wait3A_132 = arith.constant 0 : i32
      %dma_wait3A_133 = tpu.memref_slice %arg7[%add3A_46, %dma_wait3A_132] : memref<80x128xi32, #tpu.memory_space<vmem>> -> memref<1x128xi32, #tpu.memory_space<vmem>>
      %dma_wait3A_134 = tpu.memref_squeeze %dma_wait3A_133 : memref<1x128xi32, #tpu.memory_space<vmem>> -> memref<128xi32, #tpu.memory_space<vmem>>
      %dma_wait3A_135 = arith.constant 0 : i32
      %dma_wait3A_136 = arith.constant 0 : i32
      %dma_wait3A_137 = tpu.memref_slice %arg4[%dma_wait3A_135, %dma_wait3A_136] : memref<10000x64xf32, #tpu.memory_space<hbm>> -> memref<10000x64xf32, #tpu.memory_space<hbm>>
      tpu.wait_indirect_dma semaphore(%arg21 : memref<!tpu.dma_semaphore, #tpu.memory_space<semaphore_mem>>) src(%dma_wait3A_137 : memref<10000x64xf32, #tpu.memory_space<hbm>>) dst(%arg13 : memref<128x64xf32, #tpu.memory_space<vmem>>)
      %add3A_138 = arith.constant 4 : i32
      %add3A_139 = arith.addi %mul3A_13, %add3A_138 : i32
      %dma_start3A_140 = arith.constant 0 : i32
      %dma_start3A_141 = tpu.memref_slice %arg8[%add3A_139, %dma_start3A_140] : memref<80x128xi32, #tpu.memory_space<vmem>> -> memref<1x128xi32, #tpu.memory_space<vmem>>
      %dma_start3A_142 = tpu.memref_squeeze %dma_start3A_141 : memref<1x128xi32, #tpu.memory_space<vmem>> -> memref<128xi32, #tpu.memory_space<vmem>>
      %dma_start3A_143 = arith.constant 0 : i32
      %dma_start3A_144 = arith.constant 0 : i32
      %dma_start3A_145 = tpu.memref_slice %arg33[%dma_start3A_143, %dma_start3A_144] : memref<10112x64xf32, #tpu.memory_space<vmem_shared>> -> memref<10112x64xf32, #tpu.memory_space<vmem_shared>>
      tpu.enqueue_indirect_dma source(%arg13 : memref<128x64xf32, #tpu.memory_space<vmem>>) target(%dma_start3A_145 : memref<10112x64xf32, #tpu.memory_space<vmem_shared>>) offsets(%dma_start3A_142 : memref<128xi32, #tpu.memory_space<vmem>>) semaphore(%arg29 : memref<!tpu.dma_semaphore, #tpu.memory_space<semaphore_mem>>) {add = true}
      %dma_wait3A_146 = arith.constant 0 : i32
      %dma_wait3A_147 = tpu.memref_slice %arg7[%add3A_54, %dma_wait3A_146] : memref<80x128xi32, #tpu.memory_space<vmem>> -> memref<1x128xi32, #tpu.memory_space<vmem>>
      %dma_wait3A_148 = tpu.memref_squeeze %dma_wait3A_147 : memref<1x128xi32, #tpu.memory_space<vmem>> -> memref<128xi32, #tpu.memory_space<vmem>>
      %dma_wait3A_149 = arith.constant 0 : i32
      %dma_wait3A_150 = arith.constant 0 : i32
      %dma_wait3A_151 = tpu.memref_slice %arg4[%dma_wait3A_149, %dma_wait3A_150] : memref<10000x64xf32, #tpu.memory_space<hbm>> -> memref<10000x64xf32, #tpu.memory_space<hbm>>
      tpu.wait_indirect_dma semaphore(%arg22 : memref<!tpu.dma_semaphore, #tpu.memory_space<semaphore_mem>>) src(%dma_wait3A_151 : memref<10000x64xf32, #tpu.memory_space<hbm>>) dst(%arg14 : memref<128x64xf32, #tpu.memory_space<vmem>>)
      %add3A_152 = arith.constant 5 : i32
      %add3A_153 = arith.addi %mul3A_13, %add3A_152 : i32
      %dma_start3A_154 = arith.constant 0 : i32
      %dma_start3A_155 = tpu.memref_slice %arg8[%add3A_153, %dma_start3A_154] : memref<80x128xi32, #tpu.memory_space<vmem>> -> memref<1x128xi32, #tpu.memory_space<vmem>>
      %dma_start3A_156 = tpu.memref_squeeze %dma_start3A_155 : memref<1x128xi32, #tpu.memory_space<vmem>> -> memref<128xi32, #tpu.memory_space<vmem>>
      %dma_start3A_157 = arith.constant 0 : i32
      %dma_start3A_158 = arith.constant 0 : i32
      %dma_start3A_159 = tpu.memref_slice %arg33[%dma_start3A_157, %dma_start3A_158] : memref<10112x64xf32, #tpu.memory_space<vmem_shared>> -> memref<10112x64xf32, #tpu.memory_space<vmem_shared>>
      tpu.enqueue_indirect_dma source(%arg14 : memref<128x64xf32, #tpu.memory_space<vmem>>) target(%dma_start3A_159 : memref<10112x64xf32, #tpu.memory_space<vmem_shared>>) offsets(%dma_start3A_156 : memref<128xi32, #tpu.memory_space<vmem>>) semaphore(%arg30 : memref<!tpu.dma_semaphore, #tpu.memory_space<semaphore_mem>>) {add = true}
      %dma_wait3A_160 = arith.constant 0 : i32
      %dma_wait3A_161 = tpu.memref_slice %arg7[%add3A_62, %dma_wait3A_160] : memref<80x128xi32, #tpu.memory_space<vmem>> -> memref<1x128xi32, #tpu.memory_space<vmem>>
      %dma_wait3A_162 = tpu.memref_squeeze %dma_wait3A_161 : memref<1x128xi32, #tpu.memory_space<vmem>> -> memref<128xi32, #tpu.memory_space<vmem>>
      %dma_wait3A_163 = arith.constant 0 : i32
      %dma_wait3A_164 = arith.constant 0 : i32
      %dma_wait3A_165 = tpu.memref_slice %arg4[%dma_wait3A_163, %dma_wait3A_164] : memref<10000x64xf32, #tpu.memory_space<hbm>> -> memref<10000x64xf32, #tpu.memory_space<hbm>>
      tpu.wait_indirect_dma semaphore(%arg23 : memref<!tpu.dma_semaphore, #tpu.memory_space<semaphore_mem>>) src(%dma_wait3A_165 : memref<10000x64xf32, #tpu.memory_space<hbm>>) dst(%arg15 : memref<128x64xf32, #tpu.memory_space<vmem>>)
      %add3A_166 = arith.constant 6 : i32
      %add3A_167 = arith.addi %mul3A_13, %add3A_166 : i32
      %dma_start3A_168 = arith.constant 0 : i32
      %dma_start3A_169 = tpu.memref_slice %arg8[%add3A_167, %dma_start3A_168] : memref<80x128xi32, #tpu.memory_space<vmem>> -> memref<1x128xi32, #tpu.memory_space<vmem>>
      %dma_start3A_170 = tpu.memref_squeeze %dma_start3A_169 : memref<1x128xi32, #tpu.memory_space<vmem>> -> memref<128xi32, #tpu.memory_space<vmem>>
      %dma_start3A_171 = arith.constant 0 : i32
      %dma_start3A_172 = arith.constant 0 : i32
      %dma_start3A_173 = tpu.memref_slice %arg33[%dma_start3A_171, %dma_start3A_172] : memref<10112x64xf32, #tpu.memory_space<vmem_shared>> -> memref<10112x64xf32, #tpu.memory_space<vmem_shared>>
      tpu.enqueue_indirect_dma source(%arg15 : memref<128x64xf32, #tpu.memory_space<vmem>>) target(%dma_start3A_173 : memref<10112x64xf32, #tpu.memory_space<vmem_shared>>) offsets(%dma_start3A_170 : memref<128xi32, #tpu.memory_space<vmem>>) semaphore(%arg31 : memref<!tpu.dma_semaphore, #tpu.memory_space<semaphore_mem>>) {add = true}
      %dma_wait3A_174 = arith.constant 0 : i32
      %dma_wait3A_175 = tpu.memref_slice %arg7[%add3A_70, %dma_wait3A_174] : memref<80x128xi32, #tpu.memory_space<vmem>> -> memref<1x128xi32, #tpu.memory_space<vmem>>
      %dma_wait3A_176 = tpu.memref_squeeze %dma_wait3A_175 : memref<1x128xi32, #tpu.memory_space<vmem>> -> memref<128xi32, #tpu.memory_space<vmem>>
      %dma_wait3A_177 = arith.constant 0 : i32
      %dma_wait3A_178 = arith.constant 0 : i32
      %dma_wait3A_179 = tpu.memref_slice %arg4[%dma_wait3A_177, %dma_wait3A_178] : memref<10000x64xf32, #tpu.memory_space<hbm>> -> memref<10000x64xf32, #tpu.memory_space<hbm>>
      tpu.wait_indirect_dma semaphore(%arg24 : memref<!tpu.dma_semaphore, #tpu.memory_space<semaphore_mem>>) src(%dma_wait3A_179 : memref<10000x64xf32, #tpu.memory_space<hbm>>) dst(%arg16 : memref<128x64xf32, #tpu.memory_space<vmem>>)
      %add3A_180 = arith.constant 7 : i32
      %add3A_181 = arith.addi %mul3A_13, %add3A_180 : i32
      %dma_start3A_182 = arith.constant 0 : i32
      %dma_start3A_183 = tpu.memref_slice %arg8[%add3A_181, %dma_start3A_182] : memref<80x128xi32, #tpu.memory_space<vmem>> -> memref<1x128xi32, #tpu.memory_space<vmem>>
      %dma_start3A_184 = tpu.memref_squeeze %dma_start3A_183 : memref<1x128xi32, #tpu.memory_space<vmem>> -> memref<128xi32, #tpu.memory_space<vmem>>
      %dma_start3A_185 = arith.constant 0 : i32
      %dma_start3A_186 = arith.constant 0 : i32
      %dma_start3A_187 = tpu.memref_slice %arg33[%dma_start3A_185, %dma_start3A_186] : memref<10112x64xf32, #tpu.memory_space<vmem_shared>> -> memref<10112x64xf32, #tpu.memory_space<vmem_shared>>
      tpu.enqueue_indirect_dma source(%arg16 : memref<128x64xf32, #tpu.memory_space<vmem>>) target(%dma_start3A_187 : memref<10112x64xf32, #tpu.memory_space<vmem_shared>>) offsets(%dma_start3A_184 : memref<128xi32, #tpu.memory_space<vmem>>) semaphore(%arg32 : memref<!tpu.dma_semaphore, #tpu.memory_space<semaphore_mem>>) {add = true}
      %dma_wait3A_188 = arith.constant 0 : i32
      %dma_wait3A_189 = tpu.memref_slice %arg8[%add3A_83, %dma_wait3A_188] : memref<80x128xi32, #tpu.memory_space<vmem>> -> memref<1x128xi32, #tpu.memory_space<vmem>>
      %dma_wait3A_190 = tpu.memref_squeeze %dma_wait3A_189 : memref<1x128xi32, #tpu.memory_space<vmem>> -> memref<128xi32, #tpu.memory_space<vmem>>
      %dma_wait3A_191 = arith.constant 0 : i32
      %dma_wait3A_192 = arith.constant 0 : i32
      %dma_wait3A_193 = tpu.memref_slice %arg33[%dma_wait3A_191, %dma_wait3A_192] : memref<10112x64xf32, #tpu.memory_space<vmem_shared>> -> memref<10112x64xf32, #tpu.memory_space<vmem_shared>>
      tpu.wait_indirect_dma semaphore(%arg25 : memref<!tpu.dma_semaphore, #tpu.memory_space<semaphore_mem>>) src(%arg9 : memref<128x64xf32, #tpu.memory_space<vmem>>) dst(%dma_wait3A_193 : memref<10112x64xf32, #tpu.memory_space<vmem_shared>>)
      %dma_wait3A_194 = arith.constant 0 : i32
      %dma_wait3A_195 = tpu.memref_slice %arg8[%add3A_97, %dma_wait3A_194] : memref<80x128xi32, #tpu.memory_space<vmem>> -> memref<1x128xi32, #tpu.memory_space<vmem>>
      %dma_wait3A_196 = tpu.memref_squeeze %dma_wait3A_195 : memref<1x128xi32, #tpu.memory_space<vmem>> -> memref<128xi32, #tpu.memory_space<vmem>>
      %dma_wait3A_197 = arith.constant 0 : i32
      %dma_wait3A_198 = arith.constant 0 : i32
      %dma_wait3A_199 = tpu.memref_slice %arg33[%dma_wait3A_197, %dma_wait3A_198] : memref<10112x64xf32, #tpu.memory_space<vmem_shared>> -> memref<10112x64xf32, #tpu.memory_space<vmem_shared>>
      tpu.wait_indirect_dma semaphore(%arg26 : memref<!tpu.dma_semaphore, #tpu.memory_space<semaphore_mem>>) src(%arg10 : memref<128x64xf32, #tpu.memory_space<vmem>>) dst(%dma_wait3A_199 : memref<10112x64xf32, #tpu.memory_space<vmem_shared>>)
      %dma_wait3A_200 = arith.constant 0 : i32
      %dma_wait3A_201 = tpu.memref_slice %arg8[%add3A_111, %dma_wait3A_200] : memref<80x128xi32, #tpu.memory_space<vmem>> -> memref<1x128xi32, #tpu.memory_space<vmem>>
      %dma_wait3A_202 = tpu.memref_squeeze %dma_wait3A_201 : memref<1x128xi32, #tpu.memory_space<vmem>> -> memref<128xi32, #tpu.memory_space<vmem>>
      %dma_wait3A_203 = arith.constant 0 : i32
      %dma_wait3A_204 = arith.constant 0 : i32
      %dma_wait3A_205 = tpu.memref_slice %arg33[%dma_wait3A_203, %dma_wait3A_204] : memref<10112x64xf32, #tpu.memory_space<vmem_shared>> -> memref<10112x64xf32, #tpu.memory_space<vmem_shared>>
      tpu.wait_indirect_dma semaphore(%arg27 : memref<!tpu.dma_semaphore, #tpu.memory_space<semaphore_mem>>) src(%arg11 : memref<128x64xf32, #tpu.memory_space<vmem>>) dst(%dma_wait3A_205 : memref<10112x64xf32, #tpu.memory_space<vmem_shared>>)
      %dma_wait3A_206 = arith.constant 0 : i32
      %dma_wait3A_207 = tpu.memref_slice %arg8[%add3A_125, %dma_wait3A_206] : memref<80x128xi32, #tpu.memory_space<vmem>> -> memref<1x128xi32, #tpu.memory_space<vmem>>
      %dma_wait3A_208 = tpu.memref_squeeze %dma_wait3A_207 : memref<1x128xi32, #tpu.memory_space<vmem>> -> memref<128xi32, #tpu.memory_space<vmem>>
      %dma_wait3A_209 = arith.constant 0 : i32
      %dma_wait3A_210 = arith.constant 0 : i32
      %dma_wait3A_211 = tpu.memref_slice %arg33[%dma_wait3A_209, %dma_wait3A_210] : memref<10112x64xf32, #tpu.memory_space<vmem_shared>> -> memref<10112x64xf32, #tpu.memory_space<vmem_shared>>
      tpu.wait_indirect_dma semaphore(%arg28 : memref<!tpu.dma_semaphore, #tpu.memory_space<semaphore_mem>>) src(%arg12 : memref<128x64xf32, #tpu.memory_space<vmem>>) dst(%dma_wait3A_211 : memref<10112x64xf32, #tpu.memory_space<vmem_shared>>)
      %dma_wait3A_212 = arith.constant 0 : i32
      %dma_wait3A_213 = tpu.memref_slice %arg8[%add3A_139, %dma_wait3A_212] : memref<80x128xi32, #tpu.memory_space<vmem>> -> memref<1x128xi32, #tpu.memory_space<vmem>>
      %dma_wait3A_214 = tpu.memref_squeeze %dma_wait3A_213 : memref<1x128xi32, #tpu.memory_space<vmem>> -> memref<128xi32, #tpu.memory_space<vmem>>
      %dma_wait3A_215 = arith.constant 0 : i32
      %dma_wait3A_216 = arith.constant 0 : i32
      %dma_wait3A_217 = tpu.memref_slice %arg33[%dma_wait3A_215, %dma_wait3A_216] : memref<10112x64xf32, #tpu.memory_space<vmem_shared>> -> memref<10112x64xf32, #tpu.memory_space<vmem_shared>>
      tpu.wait_indirect_dma semaphore(%arg29 : memref<!tpu.dma_semaphore, #tpu.memory_space<semaphore_mem>>) src(%arg13 : memref<128x64xf32, #tpu.memory_space<vmem>>) dst(%dma_wait3A_217 : memref<10112x64xf32, #tpu.memory_space<vmem_shared>>)
      %dma_wait3A_218 = arith.constant 0 : i32
      %dma_wait3A_219 = tpu.memref_slice %arg8[%add3A_153, %dma_wait3A_218] : memref<80x128xi32, #tpu.memory_space<vmem>> -> memref<1x128xi32, #tpu.memory_space<vmem>>
      %dma_wait3A_220 = tpu.memref_squeeze %dma_wait3A_219 : memref<1x128xi32, #tpu.memory_space<vmem>> -> memref<128xi32, #tpu.memory_space<vmem>>
      %dma_wait3A_221 = arith.constant 0 : i32
      %dma_wait3A_222 = arith.constant 0 : i32
      %dma_wait3A_223 = tpu.memref_slice %arg33[%dma_wait3A_221, %dma_wait3A_222] : memref<10112x64xf32, #tpu.memory_space<vmem_shared>> -> memref<10112x64xf32, #tpu.memory_space<vmem_shared>>
      tpu.wait_indirect_dma semaphore(%arg30 : memref<!tpu.dma_semaphore, #tpu.memory_space<semaphore_mem>>) src(%arg14 : memref<128x64xf32, #tpu.memory_space<vmem>>) dst(%dma_wait3A_223 : memref<10112x64xf32, #tpu.memory_space<vmem_shared>>)
      %dma_wait3A_224 = arith.constant 0 : i32
      %dma_wait3A_225 = tpu.memref_slice %arg8[%add3A_167, %dma_wait3A_224] : memref<80x128xi32, #tpu.memory_space<vmem>> -> memref<1x128xi32, #tpu.memory_space<vmem>>
      %dma_wait3A_226 = tpu.memref_squeeze %dma_wait3A_225 : memref<1x128xi32, #tpu.memory_space<vmem>> -> memref<128xi32, #tpu.memory_space<vmem>>
      %dma_wait3A_227 = arith.constant 0 : i32
      %dma_wait3A_228 = arith.constant 0 : i32
      %dma_wait3A_229 = tpu.memref_slice %arg33[%dma_wait3A_227, %dma_wait3A_228] : memref<10112x64xf32, #tpu.memory_space<vmem_shared>> -> memref<10112x64xf32, #tpu.memory_space<vmem_shared>>
      tpu.wait_indirect_dma semaphore(%arg31 : memref<!tpu.dma_semaphore, #tpu.memory_space<semaphore_mem>>) src(%arg15 : memref<128x64xf32, #tpu.memory_space<vmem>>) dst(%dma_wait3A_229 : memref<10112x64xf32, #tpu.memory_space<vmem_shared>>)
      %dma_wait3A_230 = arith.constant 0 : i32
      %dma_wait3A_231 = tpu.memref_slice %arg8[%add3A_181, %dma_wait3A_230] : memref<80x128xi32, #tpu.memory_space<vmem>> -> memref<1x128xi32, #tpu.memory_space<vmem>>
      %dma_wait3A_232 = tpu.memref_squeeze %dma_wait3A_231 : memref<1x128xi32, #tpu.memory_space<vmem>> -> memref<128xi32, #tpu.memory_space<vmem>>
      %dma_wait3A_233 = arith.constant 0 : i32
      %dma_wait3A_234 = arith.constant 0 : i32
      %dma_wait3A_235 = tpu.memref_slice %arg33[%dma_wait3A_233, %dma_wait3A_234] : memref<10112x64xf32, #tpu.memory_space<vmem_shared>> -> memref<10112x64xf32, #tpu.memory_space<vmem_shared>>
      tpu.wait_indirect_dma semaphore(%arg32 : memref<!tpu.dma_semaphore, #tpu.memory_space<semaphore_mem>>) src(%arg16 : memref<128x64xf32, #tpu.memory_space<vmem>>) dst(%dma_wait3A_235 : memref<10112x64xf32, #tpu.memory_space<vmem_shared>>)
    }
    %scan3A_9 = arith.constant 10 : i32
    %barrier3A_10 = arith.constant 0 : index
    tpu.barrier barrier_id(%barrier3A_10)
    "tpu.region"() ({
      %run_scoped3A = tpu.sem_alloc : memref<!tpu.dma_semaphore, #tpu.memory_space<semaphore_mem>>
      %dma_start3A = arith.constant 0 : i32
      %dma_start3A_11 = tpu.memref_slice %arg6[%arg0, %mul3A_0, %dma_start3A] : memref<2x10112x64xf32, #tpu.memory_space<hbm>> -> memref<1x632x64xf32, #tpu.memory_space<hbm>>
      %dma_start3A_12 = tpu.memref_squeeze %dma_start3A_11 : memref<1x632x64xf32, #tpu.memory_space<hbm>> -> memref<632x64xf32, #tpu.memory_space<hbm>>
      %dma_start3A_13 = arith.constant 0 : i32
      %dma_start3A_14 = tpu.memref_slice %arg33[%mul3A_0, %dma_start3A_13] : memref<10112x64xf32, #tpu.memory_space<vmem_shared>> -> memref<632x64xf32, #tpu.memory_space<vmem_shared>>
      tpu.enqueue_dma source(%dma_start3A_14 : memref<632x64xf32, #tpu.memory_space<vmem_shared>>) target(%dma_start3A_12 : memref<632x64xf32, #tpu.memory_space<hbm>>) target_semaphore(%run_scoped3A : memref<!tpu.dma_semaphore, #tpu.memory_space<semaphore_mem>>)
      %dma_wait3A = arith.constant 0 : i32
      %dma_wait3A_15 = tpu.memref_slice %arg6[%arg0, %mul3A_0, %dma_wait3A] : memref<2x10112x64xf32, #tpu.memory_space<hbm>> -> memref<1x632x64xf32, #tpu.memory_space<hbm>>
      %dma_wait3A_16 = tpu.memref_squeeze %dma_wait3A_15 : memref<1x632x64xf32, #tpu.memory_space<hbm>> -> memref<632x64xf32, #tpu.memory_space<hbm>>
      %dma_wait3A_17 = arith.constant 0 : i32
      %dma_wait3A_18 = tpu.memref_slice %arg33[%mul3A_0, %dma_wait3A_17] : memref<10112x64xf32, #tpu.memory_space<vmem_shared>> -> memref<632x64xf32, #tpu.memory_space<vmem_shared>>
      tpu.wait_dma2 semaphore(%run_scoped3A : memref<!tpu.dma_semaphore, #tpu.memory_space<semaphore_mem>>) src(%dma_wait3A_18 : memref<632x64xf32, #tpu.memory_space<vmem_shared>>) dst(%dma_wait3A_16 : memref<632x64xf32, #tpu.memory_space<hbm>>)
      tpu.yield
    }) : () -> ()
    return
  }
}

module attributes {stable_mosaic.version = 14 : i64} {
  func.func @_tc_a_body(%arg0: i32, %arg1: memref<2x1000x8xf32, #tpu.memory_space<vmem>>, %arg2: memref<1000x128xf32, #tpu.memory_space<vmem>>, %arg3: memref<128x64xf32, #tpu.memory_space<vmem>>, %arg4: memref<1000x8xf32, #tpu.memory_space<vmem>>, %arg5: memref<1000x64xf32, #tpu.memory_space<vmem>>) attributes {dimension_semantics = [#tpu.dimension_semantics<arbitrary>], iteration_bounds = array<i64: 10>, scalar_prefetch = 0 : i64, scratch_operands = 0 : i64, tpu.core_type = #tpu.core_type<tc>, window_params = [{transform_indices = @transform_0, window_bounds = array<i64: 2, 1000, 8>}, {transform_indices = @transform_1, window_bounds = array<i64: 1000, 128>}, {pipeline_mode = #tpu.pipeline_mode<synchronous>, transform_indices = @transform_2, window_bounds = array<i64: 128, 64>}, {transform_indices = @transform_3, window_bounds = array<i64: 1000, 8>}, {transform_indices = @transform_4, window_bounds = array<i64: 1000, 64>}]} {
    %get3A = arith.constant 0 : index
    %get3A_0 = arith.constant 0 : index
    %get3A_1 = arith.constant 0 : index
    %get3A_2 = vector.load %arg1[%get3A, %get3A_0, %get3A_1] : memref<2x1000x8xf32, #tpu.memory_space<vmem>>, vector<2x1000x8xf32>
    %slice3A = vector.extract_strided_slice %get3A_2 {offsets = [0, 0, 0], sizes = [1, 1000, 1], strides = [1, 1, 1]} : vector<2x1000x8xf32> to vector<1x1000x1xf32>
    %squeeze3A = vector.shape_cast %slice3A : vector<1x1000x1xf32> to vector<1000xf32>
    %add3A = arith.constant 1.000000e+00 : f32
    %add3A_3 = vector.broadcast %add3A : f32 to vector<1000xf32>
    %add3A_4 = arith.addf %add3A_3, %squeeze3A : vector<1000xf32>
    %slice3A_5 = vector.extract_strided_slice %get3A_2 {offsets = [1, 0, 0], sizes = [1, 1000, 1], strides = [1, 1, 1]} : vector<2x1000x8xf32> to vector<1x1000x1xf32>
    %squeeze3A_6 = vector.shape_cast %slice3A_5 : vector<1x1000x1xf32> to vector<1000xf32>
    %add3A_7 = arith.addf %add3A_4, %squeeze3A_6 : vector<1000xf32>
    %rsqrt3A = math.rsqrt %add3A_7 : vector<1000xf32>
    %get3A_8 = arith.constant 0 : index
    %get3A_9 = arith.constant 0 : index
    %get3A_10 = vector.load %arg2[%get3A_8, %get3A_9] : memref<1000x128xf32, #tpu.memory_space<vmem>>, vector<1000x128xf32>
    %get3A_11 = arith.constant 0 : index
    %get3A_12 = arith.constant 0 : index
    %get3A_13 = vector.load %arg3[%get3A_11, %get3A_12] : memref<128x64xf32, #tpu.memory_space<vmem>>, vector<128x64xf32>
    %dot_general3A = arith.constant dense<0.000000e+00> : vector<1000x64xf32>
    %dot_general3A_14 = tpu.matmul %get3A_10, %get3A_13, %dot_general3A {dimension_numbers = #tpu.dot_dimension_numbers<[1], [0], [0], [1], [0, 0, 1, 1], [], []>, precision = #tpu.contract_precision<fp32>, transpose_lhs_hint = false} : vector<1000x128xf32>, vector<128x64xf32>, vector<1000x64xf32> -> vector<1000x64xf32>
    %broadcast_in_dim3A = vector.shape_cast %rsqrt3A : vector<1000xf32> to vector<1000x1xf32>
    %mul3A = vector.broadcast %broadcast_in_dim3A : vector<1000x1xf32> to vector<1000x64xf32>
    %mul3A_15 = arith.mulf %mul3A, %dot_general3A_14 : vector<1000x64xf32>
    %swap3A = arith.constant 0 : index
    %swap3A_16 = arith.constant 0 : index
    %swap3A_17 = vector.load %arg5[%swap3A, %swap3A_16] : memref<1000x64xf32, #tpu.memory_space<vmem>>, vector<1000x64xf32>
    tpu.vector_store %arg5[%swap3A, %swap3A_16], %mul3A_15 {strides = array<i32>} : memref<1000x64xf32, #tpu.memory_space<vmem>>, vector<1000x64xf32>,
    %broadcast_in_dim3A_18 = vector.shape_cast %rsqrt3A : vector<1000xf32> to vector<1000x1xf32>
    %broadcast_in_dim3A_19 = vector.shape_cast %broadcast_in_dim3A_18 : vector<1000x1xf32> to vector<1000x1xf32>
    %broadcast_in_dim3A_20 = vector.broadcast %broadcast_in_dim3A_19 : vector<1000x1xf32> to vector<1000x8xf32>
    %swap3A_21 = arith.constant 0 : index
    %swap3A_22 = arith.constant 0 : index
    %swap3A_23 = vector.load %arg4[%swap3A_21, %swap3A_22] : memref<1000x8xf32, #tpu.memory_space<vmem>>, vector<1000x8xf32>
    tpu.vector_store %arg4[%swap3A_21, %swap3A_22], %broadcast_in_dim3A_20 {strides = array<i32>} : memref<1000x8xf32, #tpu.memory_space<vmem>>, vector<1000x8xf32>,
    return
  }
  func.func @transform_0(%arg0: i32) -> (i32, i32, i32) {
    %c0_i32 = arith.constant 0 : i32
    %c0_i32_0 = arith.constant 0 : i32
    %c0_i32_1 = arith.constant 0 : i32
    return %c0_i32, %arg0, %c0_i32_0 : i32, i32, i32
  }
  func.func @transform_1(%arg0: i32) -> (i32, i32) {
    %c0_i32 = arith.constant 0 : i32
    %c0_i32_0 = arith.constant 0 : i32
    return %arg0, %c0_i32 : i32, i32
  }
  func.func @transform_2(%arg0: i32) -> (i32, i32) {
    %c0_i32 = arith.constant 0 : i32
    %c0_i32_0 = arith.constant 0 : i32
    %c0_i32_1 = arith.constant 0 : i32
    return %c0_i32, %c0_i32_0 : i32, i32
  }
  func.func @transform_3(%arg0: i32) -> (i32, i32) {
    %c0_i32 = arith.constant 0 : i32
    %c0_i32_0 = arith.constant 0 : i32
    return %arg0, %c0_i32 : i32, i32
  }
  func.func @transform_4(%arg0: i32) -> (i32, i32) {
    %c0_i32 = arith.constant 0 : i32
    %c0_i32_0 = arith.constant 0 : i32
    return %arg0, %c0_i32 : i32, i32
  }
}

module attributes {stable_mosaic.version = 14 : i64} {
  func.func @_tc_b_body(%arg0: i32, %arg1: memref<2x1000x64xf32, #tpu.memory_space<vmem>>, %arg2: memref<1000x64xf32, #tpu.memory_space<vmem>>, %arg3: memref<1000x8xf32, #tpu.memory_space<vmem>>, %arg4: memref<1x64xf32, #tpu.memory_space<vmem>>, %arg5: memref<64x64xf32, #tpu.memory_space<vmem>>, %arg6: memref<1000x64xf32, #tpu.memory_space<vmem>>) attributes {dimension_semantics = [#tpu.dimension_semantics<arbitrary>], iteration_bounds = array<i64: 10>, scalar_prefetch = 0 : i64, scratch_operands = 0 : i64, tpu.core_type = #tpu.core_type<tc>, window_params = [{transform_indices = @transform_0, window_bounds = array<i64: 2, 1000, 64>}, {transform_indices = @transform_1, window_bounds = array<i64: 1000, 64>}, {transform_indices = @transform_2, window_bounds = array<i64: 1000, 8>}, {pipeline_mode = #tpu.pipeline_mode<synchronous>, transform_indices = @transform_3, window_bounds = array<i64: 1, 64>}, {pipeline_mode = #tpu.pipeline_mode<synchronous>, transform_indices = @transform_4, window_bounds = array<i64: 64, 64>}, {transform_indices = @transform_5, window_bounds = array<i64: 1000, 64>}]} {
    %get3A = arith.constant 0 : index
    %get3A_0 = arith.constant 0 : index
    %get3A_1 = arith.constant 0 : index
    %get3A_2 = vector.load %arg1[%get3A, %get3A_0, %get3A_1] : memref<2x1000x64xf32, #tpu.memory_space<vmem>>, vector<1x1000x64xf32>
    %get3A_3 = vector.shape_cast %get3A_2 : vector<1x1000x64xf32> to vector<1000x64xf32>
    %get3A_4 = arith.constant 1 : index
    %get3A_5 = arith.constant 0 : index
    %get3A_6 = arith.constant 0 : index
    %get3A_7 = vector.load %arg1[%get3A_4, %get3A_5, %get3A_6] : memref<2x1000x64xf32, #tpu.memory_space<vmem>>, vector<1x1000x64xf32>
    %get3A_8 = vector.shape_cast %get3A_7 : vector<1x1000x64xf32> to vector<1000x64xf32>
    %add3A = arith.addf %get3A_3, %get3A_8 : vector<1000x64xf32>
    %get3A_9 = arith.constant 0 : index
    %get3A_10 = arith.constant 0 : index
    %get3A_11 = vector.load %arg2[%get3A_9, %get3A_10] : memref<1000x64xf32, #tpu.memory_space<vmem>>, vector<1000x64xf32>
    %add3A_12 = arith.addf %add3A, %get3A_11 : vector<1000x64xf32>
    %get3A_13 = arith.constant 0 : index
    %get3A_14 = arith.constant 0 : index
    %get3A_15 = vector.load %arg3[%get3A_13, %get3A_14] : memref<1000x8xf32, #tpu.memory_space<vmem>>, vector<1000x8xf32>
    %slice3A = vector.extract_strided_slice %get3A_15 {offsets = [0, 0], sizes = [1000, 1], strides = [1, 1]} : vector<1000x8xf32> to vector<1000x1xf32>
    %mul3A = vector.broadcast %slice3A : vector<1000x1xf32> to vector<1000x64xf32>
    %mul3A_16 = arith.mulf %mul3A, %add3A_12 : vector<1000x64xf32>
    %get3A_17 = arith.constant 0 : index
    %get3A_18 = arith.constant 0 : index
    %get3A_19 = vector.load %arg4[%get3A_17, %get3A_18] : memref<1x64xf32, #tpu.memory_space<vmem>>, vector<1x64xf32>
    %add3A_20 = vector.broadcast %get3A_19 : vector<1x64xf32> to vector<1000x64xf32>
    %add3A_21 = arith.addf %mul3A_16, %add3A_20 : vector<1000x64xf32>
    %max3A = arith.constant 0.000000e+00 : f32
    %max3A_22 = vector.broadcast %max3A : f32 to vector<1000x64xf32>
    %max3A_23 = arith.maximumf %add3A_21, %max3A_22 : vector<1000x64xf32>
    %get3A_24 = arith.constant 0 : index
    %get3A_25 = arith.constant 0 : index
    %get3A_26 = vector.load %arg5[%get3A_24, %get3A_25] : memref<64x64xf32, #tpu.memory_space<vmem>>, vector<64x64xf32>
    %dot_general3A = arith.constant dense<0.000000e+00> : vector<1000x64xf32>
    %dot_general3A_27 = tpu.matmul %max3A_23, %get3A_26, %dot_general3A {dimension_numbers = #tpu.dot_dimension_numbers<[1], [0], [0], [1], [0, 0, 1, 1], [], []>, precision = #tpu.contract_precision<fp32>, transpose_lhs_hint = false} : vector<1000x64xf32>, vector<64x64xf32>, vector<1000x64xf32> -> vector<1000x64xf32>
    %mul3A_28 = vector.broadcast %slice3A : vector<1000x1xf32> to vector<1000x64xf32>
    %mul3A_29 = arith.mulf %mul3A_28, %dot_general3A_27 : vector<1000x64xf32>
    %swap3A = arith.constant 0 : index
    %swap3A_30 = arith.constant 0 : index
    %swap3A_31 = vector.load %arg6[%swap3A, %swap3A_30] : memref<1000x64xf32, #tpu.memory_space<vmem>>, vector<1000x64xf32>
    tpu.vector_store %arg6[%swap3A, %swap3A_30], %mul3A_29 {strides = array<i32>} : memref<1000x64xf32, #tpu.memory_space<vmem>>, vector<1000x64xf32>,
    return
  }
  func.func @transform_0(%arg0: i32) -> (i32, i32, i32) {
    %c0_i32 = arith.constant 0 : i32
    %c0_i32_0 = arith.constant 0 : i32
    %c0_i32_1 = arith.constant 0 : i32
    return %c0_i32, %arg0, %c0_i32_0 : i32, i32, i32
  }
  func.func @transform_1(%arg0: i32) -> (i32, i32) {
    %c0_i32 = arith.constant 0 : i32
    %c0_i32_0 = arith.constant 0 : i32
    return %arg0, %c0_i32 : i32, i32
  }
  func.func @transform_2(%arg0: i32) -> (i32, i32) {
    %c0_i32 = arith.constant 0 : i32
    %c0_i32_0 = arith.constant 0 : i32
    return %arg0, %c0_i32 : i32, i32
  }
  func.func @transform_3(%arg0: i32) -> (i32, i32) {
    %c0_i32 = arith.constant 0 : i32
    %c0_i32_0 = arith.constant 0 : i32
    %c0_i32_1 = arith.constant 0 : i32
    return %c0_i32, %c0_i32_0 : i32, i32
  }
  func.func @transform_4(%arg0: i32) -> (i32, i32) {
    %c0_i32 = arith.constant 0 : i32
    %c0_i32_0 = arith.constant 0 : i32
    %c0_i32_1 = arith.constant 0 : i32
    return %c0_i32, %c0_i32_0 : i32, i32
  }
  func.func @transform_5(%arg0: i32) -> (i32, i32) {
    %c0_i32 = arith.constant 0 : i32
    %c0_i32_0 = arith.constant 0 : i32
    return %arg0, %c0_i32 : i32, i32
  }
}

module attributes {stable_mosaic.version = 14 : i64} {
  func.func @_tc_c_body(%arg0: i32, %arg1: memref<2x1000x64xf32, #tpu.memory_space<vmem>>, %arg2: memref<1000x64xf32, #tpu.memory_space<vmem>>, %arg3: memref<1000x8xf32, #tpu.memory_space<vmem>>, %arg4: memref<1x64xf32, #tpu.memory_space<vmem>>, %arg5: memref<1x1x1000xi32, #tpu.memory_space<vmem>>, %arg6: memref<64x128xf32, #tpu.memory_space<vmem>>, %arg7: memref<1x128xf32, #tpu.memory_space<vmem>>, %arg8: memref<64x128xf32, #tpu.memory_space<vmem>>, %arg9: memref<64x64xf32, #tpu.memory_space<vmem>>) attributes {dimension_semantics = [#tpu.dimension_semantics<arbitrary>], iteration_bounds = array<i64: 10>, scalar_prefetch = 0 : i64, scratch_operands = 1 : i64, tpu.core_type = #tpu.core_type<tc>, window_params = [{transform_indices = @transform_0, window_bounds = array<i64: 2, 1000, 64>}, {transform_indices = @transform_1, window_bounds = array<i64: 1000, 64>}, {transform_indices = @transform_2, window_bounds = array<i64: 1000, 8>}, {pipeline_mode = #tpu.pipeline_mode<synchronous>, transform_indices = @transform_3, window_bounds = array<i64: 1, 64>}, {transform_indices = @transform_4, window_bounds = array<i64: 1, 1, 1000>}, {pipeline_mode = #tpu.pipeline_mode<synchronous>, transform_indices = @transform_5, window_bounds = array<i64: 64, 128>}, {pipeline_mode = #tpu.pipeline_mode<synchronous>, transform_indices = @transform_6, window_bounds = array<i64: 1, 128>}, {pipeline_mode = #tpu.pipeline_mode<synchronous>, transform_indices = @transform_7, window_bounds = array<i64: 64, 128>}]} {
    %get3A = arith.constant 0 : index
    %get3A_0 = arith.constant 0 : index
    %get3A_1 = arith.constant 0 : index
    %get3A_2 = vector.load %arg1[%get3A, %get3A_0, %get3A_1] : memref<2x1000x64xf32, #tpu.memory_space<vmem>>, vector<1x1000x64xf32>
    %get3A_3 = vector.shape_cast %get3A_2 : vector<1x1000x64xf32> to vector<1000x64xf32>
    %get3A_4 = arith.constant 1 : index
    %get3A_5 = arith.constant 0 : index
    %get3A_6 = arith.constant 0 : index
    %get3A_7 = vector.load %arg1[%get3A_4, %get3A_5, %get3A_6] : memref<2x1000x64xf32, #tpu.memory_space<vmem>>, vector<1x1000x64xf32>
    %get3A_8 = vector.shape_cast %get3A_7 : vector<1x1000x64xf32> to vector<1000x64xf32>
    %add3A = arith.addf %get3A_3, %get3A_8 : vector<1000x64xf32>
    %get3A_9 = arith.constant 0 : index
    %get3A_10 = arith.constant 0 : index
    %get3A_11 = vector.load %arg2[%get3A_9, %get3A_10] : memref<1000x64xf32, #tpu.memory_space<vmem>>, vector<1000x64xf32>
    %add3A_12 = arith.addf %add3A, %get3A_11 : vector<1000x64xf32>
    %get3A_13 = arith.constant 0 : index
    %get3A_14 = arith.constant 0 : index
    %get3A_15 = vector.load %arg3[%get3A_13, %get3A_14] : memref<1000x8xf32, #tpu.memory_space<vmem>>, vector<1000x8xf32>
    %slice3A = vector.extract_strided_slice %get3A_15 {offsets = [0, 0], sizes = [1000, 1], strides = [1, 1]} : vector<1000x8xf32> to vector<1000x1xf32>
    %mul3A = vector.broadcast %slice3A : vector<1000x1xf32> to vector<1000x64xf32>
    %mul3A_16 = arith.mulf %mul3A, %add3A_12 : vector<1000x64xf32>
    %get3A_17 = arith.constant 0 : index
    %get3A_18 = arith.constant 0 : index
    %get3A_19 = vector.load %arg4[%get3A_17, %get3A_18] : memref<1x64xf32, #tpu.memory_space<vmem>>, vector<1x64xf32>
    %add3A_20 = vector.broadcast %get3A_19 : vector<1x64xf32> to vector<1000x64xf32>
    %add3A_21 = arith.addf %mul3A_16, %add3A_20 : vector<1000x64xf32>
    %max3A = arith.constant 0.000000e+00 : f32
    %max3A_22 = vector.broadcast %max3A : f32 to vector<1000x64xf32>
    %max3A_23 = arith.maximumf %add3A_21, %max3A_22 : vector<1000x64xf32>
    %get3A_24 = arith.constant 0 : index
    %get3A_25 = arith.constant 0 : index
    %get3A_26 = arith.constant 0 : index
    %get3A_27 = vector.load %arg5[%get3A_24, %get3A_25, %get3A_26] : memref<1x1x1000xi32, #tpu.memory_space<vmem>>, vector<1x1x1000xi32>
    %get3A_28 = vector.shape_cast %get3A_27 : vector<1x1x1000xi32> to vector<1000xi32>
    %broadcast_in_dim3A = vector.shape_cast %get3A_28 : vector<1000xi32> to vector<1000x1xi32>
    %iota3A = tpu.iota {dimensions = array<i32: 1>} : vector<1000x64xi32>
    %eq3A = vector.broadcast %broadcast_in_dim3A : vector<1000x1xi32> to vector<1000x64xi32>
    %eq3A_29 = arith.cmpi eq, %eq3A, %iota3A : vector<1000x64xi32>
    %convert_element_type3A = arith.extui %eq3A_29 : vector<1000x64xi1> to vector<1000x64xi32>
    %convert_element_type3A_30 = arith.sitofp %convert_element_type3A : vector<1000x64xi32> to vector<1000x64xf32>
    %dot_general3A = arith.constant dense<0.000000e+00> : vector<64x64xf32>
    %dot_general3A_31 = tpu.matmul %convert_element_type3A_30, %max3A_23, %dot_general3A {dimension_numbers = #tpu.dot_dimension_numbers<[0], [0], [1], [1], [0, 1, 1, 1], [], []>, precision = #tpu.contract_precision<fp32>, transpose_lhs_hint = false} : vector<1000x64xf32>, vector<1000x64xf32>, vector<64x64xf32> -> vector<64x64xf32>
    %eq3A_32 = arith.constant 0 : i32
    %eq3A_33 = arith.cmpi eq, %arg0, %eq3A_32 : i32
    %convert_element_type3A_34 = arith.extui %eq3A_33 : i1 to i32
    %cond3A = arith.constant 0 : i32
    %cond3A_35 = arith.cmpi ne, %convert_element_type3A_34, %cond3A : i32
    scf.if %cond3A_35 {
      %swap3A = arith.constant 0 : index
      %swap3A_45 = arith.constant 0 : index
      %swap3A_46 = vector.load %arg9[%swap3A, %swap3A_45] : memref<64x64xf32, #tpu.memory_space<vmem>>, vector<64x64xf32>
      tpu.vector_store %arg9[%swap3A, %swap3A_45], %dot_general3A_31 {strides = array<i32>} : memref<64x64xf32, #tpu.memory_space<vmem>>, vector<64x64xf32>,
    } else {
    }
    %gt3A = arith.constant 0 : i32
    %gt3A_36 = arith.cmpi sgt, %arg0, %gt3A : i32
    %convert_element_type3A_37 = arith.extui %gt3A_36 : i1 to i32
    %cond3A_38 = arith.constant 0 : i32
    %cond3A_39 = arith.cmpi ne, %convert_element_type3A_37, %cond3A_38 : i32
    scf.if %cond3A_39 {
      %get3A_45 = arith.constant 0 : index
      %get3A_46 = arith.constant 0 : index
      %get3A_47 = vector.load %arg9[%get3A_45, %get3A_46] : memref<64x64xf32, #tpu.memory_space<vmem>>, vector<64x64xf32>
      %add3A_48 = arith.addf %get3A_47, %dot_general3A_31 : vector<64x64xf32>
      %swap3A = arith.constant 0 : index
      %swap3A_49 = arith.constant 0 : index
      %swap3A_50 = vector.load %arg9[%swap3A, %swap3A_49] : memref<64x64xf32, #tpu.memory_space<vmem>>, vector<64x64xf32>
      tpu.vector_store %arg9[%swap3A, %swap3A_49], %add3A_48 {strides = array<i32>} : memref<64x64xf32, #tpu.memory_space<vmem>>, vector<64x64xf32>,
    } else {
    }
    %eq3A_40 = arith.constant 9 : i32
    %eq3A_41 = arith.cmpi eq, %arg0, %eq3A_40 : i32
    %convert_element_type3A_42 = arith.extui %eq3A_41 : i1 to i32
    %cond3A_43 = arith.constant 0 : i32
    %cond3A_44 = arith.cmpi ne, %convert_element_type3A_42, %cond3A_43 : i32
    scf.if %cond3A_44 {
      %get3A_45 = arith.constant 0 : index
      %get3A_46 = arith.constant 0 : index
      %get3A_47 = vector.load %arg9[%get3A_45, %get3A_46] : memref<64x64xf32, #tpu.memory_space<vmem>>, vector<64x64xf32>
      %get3A_48 = arith.constant 0 : index
      %get3A_49 = arith.constant 0 : index
      %get3A_50 = vector.load %arg6[%get3A_48, %get3A_49] : memref<64x128xf32, #tpu.memory_space<vmem>>, vector<64x128xf32>
      %dot_general3A_51 = arith.constant dense<0.000000e+00> : vector<64x128xf32>
      %dot_general3A_52 = tpu.matmul %get3A_47, %get3A_50, %dot_general3A_51 {dimension_numbers = #tpu.dot_dimension_numbers<[1], [0], [0], [1], [0, 0, 1, 1], [], []>, precision = #tpu.contract_precision<fp32>, transpose_lhs_hint = false} : vector<64x64xf32>, vector<64x128xf32>, vector<64x128xf32> -> vector<64x128xf32>
      %get3A_53 = arith.constant 0 : index
      %get3A_54 = arith.constant 0 : index
      %get3A_55 = vector.load %arg7[%get3A_53, %get3A_54] : memref<1x128xf32, #tpu.memory_space<vmem>>, vector<1x128xf32>
      %add3A_56 = vector.broadcast %get3A_55 : vector<1x128xf32> to vector<64x128xf32>
      %add3A_57 = arith.addf %dot_general3A_52, %add3A_56 : vector<64x128xf32>
      %iota3A_58 = tpu.iota {dimensions = array<i32: 1>} : vector<64x128xi32>
      %lt3A = arith.constant 10 : i32
      %lt3A_59 = vector.broadcast %lt3A : i32 to vector<64x128xi32>
      %lt3A_60 = arith.cmpi slt, %iota3A_58, %lt3A_59 : vector<64x128xi32>
      %jit3A = arith.constant -1.000000e+30 : f32
      %broadcast_in_dim3A_61 = vector.broadcast %jit3A : f32 to vector<64x128xf32>
      %select_n3A = arith.select %lt3A_60, %add3A_57, %broadcast_in_dim3A_61 : vector<64x128xi1>, vector<64x128xf32>
      %reduce_max3A = arith.constant dense<0xFF800000> : vector<64xf32>
      %reduce_max3A_62 = vector.multi_reduction <maximumf>, %select_n3A, %reduce_max3A [1] : vector<64x128xf32> to vector<64xf32>
      %broadcast_in_dim3A_63 = vector.shape_cast %reduce_max3A_62 : vector<64xf32> to vector<64x1xf32>
      %sub3A = vector.broadcast %broadcast_in_dim3A_63 : vector<64x1xf32> to vector<64x128xf32>
      %sub3A_64 = arith.subf %select_n3A, %sub3A : vector<64x128xf32>
      %exp3A = math.exp %sub3A_64 : vector<64x128xf32>
      %reduce_sum3A = arith.constant dense<0.000000e+00> : vector<64xf32>
      %reduce_sum3A_65 = vector.multi_reduction <add>, %exp3A, %reduce_sum3A [1] : vector<64x128xf32> to vector<64xf32>
      %broadcast_in_dim3A_66 = vector.shape_cast %reduce_sum3A_65 : vector<64xf32> to vector<64x1xf32>
      %log3A = math.log %broadcast_in_dim3A_66 : vector<64x1xf32>
      %add3A_67 = arith.addf %broadcast_in_dim3A_63, %log3A : vector<64x1xf32>
      %sub3A_68 = vector.broadcast %add3A_67 : vector<64x1xf32> to vector<64x128xf32>
      %sub3A_69 = arith.subf %select_n3A, %sub3A_68 : vector<64x128xf32>
      %swap3A = arith.constant 0 : index
      %swap3A_70 = arith.constant 0 : index
      %swap3A_71 = vector.load %arg8[%swap3A, %swap3A_70] : memref<64x128xf32, #tpu.memory_space<vmem>>, vector<64x128xf32>
      tpu.vector_store %arg8[%swap3A, %swap3A_70], %sub3A_69 {strides = array<i32>} : memref<64x128xf32, #tpu.memory_space<vmem>>, vector<64x128xf32>,
    } else {
    }
    return
  }
  func.func @transform_0(%arg0: i32) -> (i32, i32, i32) {
    %c0_i32 = arith.constant 0 : i32
    %c0_i32_0 = arith.constant 0 : i32
    %c0_i32_1 = arith.constant 0 : i32
    return %c0_i32, %arg0, %c0_i32_0 : i32, i32, i32
  }
  func.func @transform_1(%arg0: i32) -> (i32, i32) {
    %c0_i32 = arith.constant 0 : i32
    %c0_i32_0 = arith.constant 0 : i32
    return %arg0, %c0_i32 : i32, i32
  }
  func.func @transform_2(%arg0: i32) -> (i32, i32) {
    %c0_i32 = arith.constant 0 : i32
    %c0_i32_0 = arith.constant 0 : i32
    return %arg0, %c0_i32 : i32, i32
  }
  func.func @transform_3(%arg0: i32) -> (i32, i32) {
    %c0_i32 = arith.constant 0 : i32
    %c0_i32_0 = arith.constant 0 : i32
    %c0_i32_1 = arith.constant 0 : i32
    return %c0_i32, %c0_i32_0 : i32, i32
  }
  func.func @transform_4(%arg0: i32) -> (i32, i32, i32) {
    %c0_i32 = arith.constant 0 : i32
    %c0_i32_0 = arith.constant 0 : i32
    %c0_i32_1 = arith.constant 0 : i32
    return %arg0, %c0_i32, %c0_i32_0 : i32, i32, i32
  }
  func.func @transform_5(%arg0: i32) -> (i32, i32) {
    %c0_i32 = arith.constant 0 : i32
    %c0_i32_0 = arith.constant 0 : i32
    %c0_i32_1 = arith.constant 0 : i32
    return %c0_i32, %c0_i32_0 : i32, i32
  }
  func.func @transform_6(%arg0: i32) -> (i32, i32) {
    %c0_i32 = arith.constant 0 : i32
    %c0_i32_0 = arith.constant 0 : i32
    %c0_i32_1 = arith.constant 0 : i32
    return %c0_i32, %c0_i32_0 : i32, i32
  }
  func.func @transform_7(%arg0: i32) -> (i32, i32) {
    %c0_i32 = arith.constant 0 : i32
    %c0_i32_0 = arith.constant 0 : i32
    %c0_i32_1 = arith.constant 0 : i32
    return %c0_i32, %c0_i32_0 : i32, i32
  }
}

</mosaic_0001>

<sc_bundles>
// kernel: kernel.11.cloned.1.call-start
scs
__scs_entry_jumppad:
0x0: {  	(pc) =	sbr.rel $0x88, $3  }
0x1: {  	(tag) =	ssettag $0x0;
	lr =	simm.s32 $0x1  }
0x2: {  	[smem:$0x3F98] =	sst lr;
	_ =	strace $0xD0000000  }
0x3: {  	_ = 	snop  }
0x4: {  	_ = 	snop  }
0x5: {  	_ = 	snop  }
0x6: {  	_ = 	snop  }
0x7: {  	_ = 	snop  }
__scs_overlays_trampoline_lowered:
0x8: {  	[smem:$0x3FA7] =	sst s0  }
0x9: {  	[smem:$0x3FA8] =	sst s1  }
0xa: {  	[smem:$0x3FA9] =	sst s2  }
0xb: {  	[smem:$0x3FAA] =	sst s3  }
0xc: {  	[smem:$0x3FAB] =	sst s4  }
0xd: {  	[smem:$0x3FAC] =	sst s5  }
0xe: {  	[smem:$0x3FAD] =	sst s6  }
0xf: {  	[smem:$0x3FAE] =	sst s7  }
0x10: {  	[smem:$0x3FAF] =	sst s8  }
0x11: {  	[smem:$0x3FB0] =	sst s9;
	s0 =	simm.s32 @!p0 $0x0  }
0x12: {  	s1 =	sld [smem:$0x3F96];
	s0 =	simm.s32 @p0 $0x1  }
0x13: {  	[smem:$0x3FB1] =	sst s0;
	s0 =	simm.s32 @!p1 $0x0  }
0x14: {  	s2 =	sld [smem:$0x3F95];
	s0 =	simm.s32 @p1 $0x1  }
0x15: {  	[smem:$0x3FB2] =	sst s0;
	s0 =	simm.s32 @!p2 $0x0  }
0x16: {  	s3 =	sld [smem:$0x3FDB];
	s0 =	simm.s32 @p2 $0x1  }
0x17: {  	s4 =	simm.s32 $0x1BF5;
	[smem:$0x3FB4] =	sst s0  }
0x18: {  	s0 =	sld [smem:$0x3F97];
	_ =	swait.ge [sflag:s4], $0x0  }
0x19: {  	s7 =	sld [smem:$0x3F98]  }
0x1a: {  	s8 =	sadd.s32 $0xFFFFE003, lr  }
0x1b: {  	s9 =	sadd.s32 $0xFFFFFEF7, lr;
	s5 =	simm.s32 $0xFFFFFFFF;
	p2 =	slt.u32 s8, $0xFFFFF086  }
0x1c: {  	p1 =	slt.u32 s9, $0xF7A;
	s5 =	simm.s32 @!p2 $0x0  }
0x1d: {  	s5 =	simm.s32 @p1 $0x1;
	p0 =	seq.s32 s7, s2  }
0x1e: {  	s7 =	smul.u32 @!p0 $0xF7A, s2;
	p2 =	seq.s32 @!p0 s5, $0x0  }
0x1f: {  	s9 =	smul.u32 $0xF7A, s1;
	s8 =	simm.s32 @!p0 $0x1BF5;
	p2 =	por !p2, p0  }
0x20: {  	[sflag:s8] =	ssyncset.s32 @!p0 $0xFFFFF086;
	s6 =	sadd.s32 @!p0 s3, s7;
	s7 =	simm.s32 @!p0 $0x108  }
0x21: {  	s3 =	sadd.s32 s3, s9;
	s6 =	sadd.s32 @!p0 $0x88, s6;
	s7 =	simm.s32 @p2 $0x1082  }
0x22: {  	[simem:s7], [sflag:s8] =	dma.local @!p0 [hbm:s6], $0xF7A  }
0x23: {  	s9 =	sor.u32 $0xD0000000, s2;
	s6 =	simm.s32 $0x108;
	_ =	swait.ge @!p0 [sflag:s8], $0x0  }
0x24: {  	s3 =	sadd.s32 $0x88, s3;
	s6 =	simm.s32 @!p1 $0x1082;
	[sflag:s4] =	ssyncset.s32 $0xFFFFF086  }
0x25: {  	[simem:s6], [sflag:s4] =	dma.local [hbm:s3], $0xF7A  }
0x26: {  	[smem:$0x3F98] =	sst s1;
	(tag) =	ssettag s2;
	_ =	strace s9  }
0x27: {  	s1 =	sld [smem:$0x3FA8]  }
0x28: {  	s2 =	sld [smem:$0x3FA9]  }
0x29: {  	s4 =	sld [smem:$0x3FAB]  }
0x2a: {  	p0 =	seq.s32 s5, $0x0;
	s5 =	sld [smem:$0x3FAC]  }
0x2b: {  	s6 =	sld [smem:$0x3FAD]  }
0x2c: {  	s7 =	sld [smem:$0x3FAE]  }
0x2d: {  	s3 =	simm.s32 $0x108;
	s8 =	sld [smem:$0x3FAF]  }
0x2e: {  	s3 =	simm.s32 @!p0 $0x1082;
	s9 =	sld [smem:$0x3FB0]  }
0x2f: {  	lr =	sadd.s32 s0, s3;
	s0 =	sld [smem:$0x3FA7]  }
0x30: {  	s3 =	sld [smem:$0x3FAA]  }
0x31: {  	[smem:$0x3FB3] =	sst s10  }
0x32: {  	s10 =	sld [smem:$0x3FB1];
	_ =	sdelay $0x3  }
0x33: {  	p0 =	seq.s32 s10, $0x1;
	s10 =	sld [smem:$0x3FB3];
	_ =	sdelay $0x3  }
0x34: {  	[smem:$0x3FB3] =	sst s10  }
0x35: {  	s10 =	sld [smem:$0x3FB2];
	_ =	sdelay $0x3  }
0x36: {  	p1 =	seq.s32 s10, $0x1;
	s10 =	sld [smem:$0x3FB3];
	_ =	sdelay $0x3  }
0x37: {  	[smem:$0x3FB3] =	sst s10  }
0x38: {  	s10 =	sld [smem:$0x3FB4]  }
0x39: {  	_ = 	snop;
	(pc) =	sbr.ind lr, $3  }
0x3a: {  	_ = 	snop  }
0x3b: {  	_ = 	snop  }
0x3c: {  	p2 =	seq.s32 s10, $0x1;
	s10 =	sld [smem:$0x3FB3]  }
0x3d: {  	_ =	shalt  }
0x3e: {  	_ =	shalt  }
0x3f: {  	_ =	shalt  }
0x40: {  	_ =	shalt  }
0x41: {  	_ =	shalt  }
0x42: {  	_ =	shalt  }
0x43: {  	_ =	shalt  }
0x44: {  	_ =	shalt  }
0x45: {  	_ =	shalt  }
0x46: {  	_ =	shalt  }
0x47: {  	_ =	shalt  }
0x48: {  	_ =	shalt  }
0x49: {  	_ =	shalt  }
0x4a: {  	_ =	shalt  }
0x4b: {  	_ =	shalt  }
0x4c: {  	_ =	shalt  }
0x4d: {  	_ =	shalt  }
0x4e: {  	_ =	shalt  }
0x4f: {  	_ =	shalt  }
0x50: {  	_ =	shalt  }
0x51: {  	_ =	shalt  }
0x52: {  	_ =	shalt  }
0x53: {  	_ =	shalt  }
0x54: {  	_ =	shalt  }
0x55: {  	_ =	shalt  }
0x56: {  	_ =	shalt  }
0x57: {  	_ =	shalt  }
0x58: {  	_ =	shalt  }
0x59: {  	_ =	shalt  }
0x5a: {  	_ =	shalt  }
0x5b: {  	_ =	shalt  }
0x5c: {  	_ =	shalt  }
0x5d: {  	_ =	shalt  }
0x5e: {  	_ =	shalt  }
0x5f: {  	_ =	shalt  }
0x60: {  	_ =	shalt  }
0x61: {  	_ =	shalt  }
0x62: {  	_ =	shalt  }
0x63: {  	_ =	shalt  }
0x64: {  	_ =	shalt  }
0x65: {  	_ =	shalt  }
0x66: {  	_ =	shalt  }
0x67: {  	_ =	shalt  }
0x68: {  	_ =	shalt  }
0x69: {  	_ =	shalt  }
0x6a: {  	_ =	shalt  }
0x6b: {  	_ =	shalt  }
0x6c: {  	_ =	shalt  }
0x6d: {  	_ =	shalt  }
0x6e: {  	_ =	shalt  }
0x6f: {  	_ =	shalt  }
0x70: {  	_ =	shalt  }
0x71: {  	_ =	shalt  }
0x72: {  	_ =	shalt  }
0x73: {  	_ =	shalt  }
0x74: {  	_ =	shalt  }
0x75: {  	_ =	shalt  }
0x76: {  	_ =	shalt  }
0x77: {  	_ =	shalt  }
0x78: {  	_ =	shalt  }
0x79: {  	_ =	shalt  }
0x7a: {  	_ =	shalt  }
0x7b: {  	_ =	shalt  }
0x7c: {  	_ =	shalt  }
0x7d: {  	_ =	shalt  }
0x7e: {  	_ =	shalt  }
0x7f: {  	_ =	shalt  }
0x80: {  	_ =	shalt  }
0x81: {  	_ =	shalt  }
0x82: {  	_ =	shalt  }
0x83: {  	_ =	shalt  }
0x84: {  	_ =	shalt  }
0x85: {  	_ =	shalt  }
0x86: {  	_ =	shalt  }
0x87: {  	_ =	shalt  }
.Lfunc_end0:
.L_simem_size_0:
called_computation.1_lowered:
.L_overlay_start_0:
0x88: {  	s2 =	sld [smem:$0x3FD9]  }
0x89: {  	s3 =	sld [smem:$0x3FFE];
	_ =	sdelay $0x1  }
0x8a: {  	s1 =	srdreg.scid  }
0x8b: {  	s0 =	sand.u32 $0x1, s1  }
0x8c: {  	s16 =	sshll.u32 s0, $0xA;
	s2 =	sadd.s32 s3, s2  }
0x8d: {  	s2 =	sadd.s32 s2, s16  }
0x8e: {  	[smem:$0x3FBF] =	sst s2  }
0x8f: {  	_ = 	snop  }
0x90: {  	(tm) =	ssettm $0x1  }
0x91: {  	s17 =	sld [smem:$0x3FFB];
	_ =	sdelay $0x3  }
0x92: {  	_ =	strace s17  }
0x93: {  	s2 =	sld [smem:$0x3FFC];
	_ =	sdelay $0x3  }
0x94: {  	_ =	strace s2  }
0x95: {  	s2 =	sld [smem:$0x3FFD];
	_ =	sdelay $0x3  }
0x96: {  	_ =	strace s2  }
0x97: {  	_ =	strace $0x8FFFFFFF  }
0x98: {  	s18 =	sld [smem:$0x3FDB];
	_ =	sdelay $0x1  }
0x99: {  	s19 =	simm.s32 $_scs_section_size  }
0x9a: {  	s4 =	simm.s32 $_size__tile_overlayer_lowered;
	s5 =	simm.s32 $_tile_overlayer_lowered  }
0x9b: {  	s22 =	simm.s32 $0x1BFF;
	s21 =	sshll.u32 s5, $0x1;
	s2 =	sadd.s32 s19, s18  }
0x9c: {  	s6 =	simm.s32 $0x0;
	s20 =	sshll.u32 s4, $0x1;
	s4 =	sadd.s32 s21, s2  }
0x9d: {  	[timem:s6], [sflag:s22] =	dma.local [hbm:s4], s20  }
0x9e: {  	_ =	swait.ge [sflag:s22], s20  }
0x9f: {  	s3 =	ssub.s32 $0x0, s20;
	[sflag:s22] =	ssyncset.done $0x0  }
0xa0: {  	[sflag:s22] =	ssyncadd.s32 s3;
	_ =	sdelay $0x1  }
0xa1: {  	s23 =	simm.s32 $0x1B8B  }
0xa2: {  	_ =	swait.ge [sflag:s23], $0x1  }
0xa3: {  	[sflag:s23] =	ssyncset.done $0x0  }
0xa4: {  	s25 =	simm.s32 $0x1B8E;
	s24 =	sld [smem:$0x3FFE];
	[sflag:s23] =	ssyncadd.s32 $0xFFFFFFFF  }
0xa5: {  	s26 =	simm.s32 $execute0_lowered;
	[smem:$0x3FD2] =	sst s25  }
0xa6: {  	s4 =	sshll.u32 s26, $0x1;
	_ =	strace $0x80000049;
	[dreg:$0x1] =	wrdreg $0xFFFFFFFF  }
0xa7: {  	s28 =	simm.s32 $_size_execute0_lowered;
	s2 =	sadd.s32 s2, s4;
	[dreg:$0x0] =	wrdreg $0x0  }
0xa8: {  	s4 =	sshll.u32 s28, $0x1;
	[dreg:$0x2] =	wrdreg s2  }
0xa9: {  	[dreg:$0x3] =	wrdreg s4  }
0xaa: {  	[dreg:$0x4] =	wrdreg $0xC0  }
0xab: {  	_ =	task [dreg:s6], $0x5FFFF  }
0xac: {  	[dreg:$0x1] =	wrdreg $0xFFFFFFFF  }
0xad: {  	[dreg:$0x0] =	wrdreg $0x60  }
0xae: {  	[dreg:$0x2] =	wrdreg s24  }
0xaf: {  	[dreg:$0x3] =	wrdreg $0x150000  }
0xb0: {  	[dreg:$0x4] =	wrdreg $0x9  }
0xb1: {  	_ =	task.clear_ibuf [dreg:s6], $0x5FFFF;
	_ =	strace $0x90000049  }
0xb2: {  	s29 =	simm.s32 $0x9;
	_ =	strace $0x8000004B  }
0xb3: {  	_ =	swait.ge [sflag:s29], $0x1  }
0xb4: {  	[sflag:s29] =	ssyncadd.s32 $0xFFFFFFFF  }
0xb5: {  	_ =	strace $0x9000004B  }
0xb6: {  	_ =	sfence  }
0xb7: {  	s30 =	sld [smem:$0x0];
	_ =	sdelay $0x2  }
0xb8: {  	s31 =	sshll.u32 s1, $0xD;
	s1 =	sshrl.u32 s1, $0x2  }
0xb9: {  	s3 =	sand.u32 $0x4000, s31;
	s1 =	sadd.s32 s1, s30  }
0xba: {  	s0 =	sor.u32 s3, s0;
	s1 =	sshll.u32 s1, $0x11  }
0xbb: {  	s0 =	sor.u32 s1, s0  }
0xbc: {  	s0 =	sadd.s32 $0x8F2B, s0  }
0xbd: {  	[sflag:s0] =	ssyncadd.remote.s32 $0x1  }
0xbe: {  	_ =	sfence.sel $0xFFFF  }
0xbf: {  	[dreg:$0x0] =	wrdreg $0xFFFFFFFF;
	(pc) =	sbr.abs _section_cstart, $3  }
0xc0: {  	[dreg:$0x1] =	wrdreg $0xFFFFFFFF  }
0xc1: {  	_ =	task.clear_ibuf [dreg:s6], $0x2FFFF;
	_ =	strace $0x9FFFFFFF  }
0xc2: {  	(tm) =	ssettm $0x7FFFFFFF  }
0xc3: {  	_ =	shalt  }
tec
execute0_lowered:
.L_overlay_start_1:
0x0: {  	(tag) =	ssettag $0x1  }
0x1: {  	s0 =	srdreg.scid;
	s3 =	rddreg [dreg:$0x0]  }
0x2: {  	s7 =	stileid.u32;
	s2 =	rddreg [dreg:$0x1];
	s4 =	simm.s32 $0x0  }
0x3: {  	s12 =	simm.s32 $0x11;
	s14 =	simm.s32 $0x80;
	s15 =	simm.s32 $0x5000  }
0x4: {  	s16 =	simm.s32 $0x7000;
	s17 =	simm.s32 $0x9000;
	s18 =	simm.s32 $0xB000  }
0x5: {  	s19 =	simm.s32 $0xD000;
	s20 =	simm.s32 $0xF000;
	s21 =	simm.s32 $0x11000  }
0x6: {  	s22 =	simm.s32 $0x13000;
	s23 =	simm.s32 $0x1;
	s28 =	simm.s32 $0x5  }
0x7: {  	s29 =	simm.s32 $0x6;
	s30 =	simm.s32 $0x7;
	s31 =	simm.s32 $0x8  }
0x8: {  	s13 =	simm.s32 $0xB;
	s9 =	simm.s32 $0x10;
	s0 =	sand.u32 $0x1, s0  }
0x9: {  	s5 =	smul.u32 $0x9E00, s7;
	[smem:$0x7FF] =	sst s4;
	s4 =	sadd.s32 $0x15800, s3  }
0xa: {  	s8 =	sadd.s32 $0x29200, s3;
	s1 =	sshll.u32 s0, $0x4;
	s6 =	smul.u32 $0x9E000, s0  }
0xb: {  	_ =	strace $0x8000004A;
	[dreg:$0x3] =	wrdreg s8;
	s0 =	ssub.s32 $0x2, s0  }
0xc: {  	s8 =	simm.s32 $0xF;
	s1 =	sor.u32 s7, s1;
	s24 =	sshrl.u32 s0, $0x1  }
0xd: {  	s7 =	sshll.u32 s7, $0x6;
	s1 =	smul.u32 $0x500, s1;
	s6 =	sadd.s32 s5, s6  }
0xe: {  	s0 =	ssub.s32 s0, s24;
	s5 =	sadd.s32 s5, s2;
	s10 =	sor.u32 $0x1C11, s7  }
0xf: {  	s6 =	sshrl.u32 s6, $0x3;
	s0 =	smax.u32 s0, $0x1;
	[dreg:$0x4] =	wrdreg s10  }
0x10: {  	s11 =	sshrl.u32 s5, $0x3;
	s1 =	sadd.s32 s1, s3;
	[dreg:$0x8] =	wrdreg s0  }
0x11: {  	s3 =	sadd.s32 s6, s3;
	s6 =	simm.s32 $0x0;
	[dreg:$0x9] =	wrdreg s11  }
0x12: {  	s24 =	simm.s32 $0x2;
	s25 =	sadd.s32 $0x1800, s1;
	[dreg:$0xa] =	wrdreg s6  }
0x13: {  	s7 =	simm.s32 $0xE;
	s1 =	sadd.s32 $0xB800, s1;
	[dreg:$0x5] =	wrdreg s25  }
0x14: {  	s5 =	simm.s32 $0xD;
	s26 =	sadd.s32 $0x2A600, s3;
	[dreg:$0x6] =	wrdreg s1  }
0x15: {  	s0 =	simm.s32 $0xA;
	s3 =	simm.s32 $0xC;
	[dreg:$0x7] =	wrdreg s26  }
0x16: {  	s25 =	simm.s32 $0x3;
	s26 =	simm.s32 $0x4;
	s1 =	simm.s32 $0x9  }
.LBB2_1:
0x17: {  	s6 =	rddreg [dreg:$0x3]  }
0x18: {  	[spmem:s11], [sflag:s10] =	dma.local [hbm:s6], $0x13C0  }
0x19: {  	_ =	swait.ge [sflag:s12], $0x13C0  }
0x1a: {  	[sflag:s12] =	ssyncset.done $0x0  }
0x1b: {  	s6 =	simm.s32 $0x0;
	s11 =	rddreg [dreg:$0x5];
	[sflag:s12] =	ssyncadd.s32 $0xFFFFEC40  }
0x1c: {  	[tilespmem:s6], [sflag:$0x11] =	stream.linear.gather [hbm4b:s11+s6], $0x2800, $0x38;
	[tilespmem:$0x1EE00] =	vst v63  }
0x1d: {  	_ =	swait.ge [sflag:s12], $0x2800  }
0x1e: {  	[sflag:s12] =	ssyncset.done $0x0  }
0x1f: {  	s11 =	simm.s32 $0x2800;
	s10 =	rddreg [dreg:$0x6];
	[sflag:s12] =	ssyncadd.s32 $0xFFFFD800  }
0x20: {  	[tilespmem:s11], [sflag:$0x11] =	stream.linear.gather [hbm4b:s10+s6], $0x2800, $0x38;
	[tilespmem:$0x1EE00] =	vst v63  }
0x21: {  	_ =	swait.ge [sflag:s12], $0x2800  }
0x22: {  	[sflag:s12] =	ssyncset.done $0x0  }
0x23: {  	[sflag:s12] =	ssyncadd.s32 $0xFFFFD800  }
0x24: {  	s12 =	simm.s32 $0x0;
	[bflag:$0x0] =	sbarrier.arrive $0xFFFF  }
0x25: {  	[tilespmem:s15], [sflag:$0x1] =	stream.indirect.gather [hbm4b:s4+s14], $0x40, s12, s14, $0xb8;
	[tilespmem:$0x1EE00] =	vst v63  }
0x26: {  	s10 =	simm.s32 $0x80  }
0x27: {  	[tilespmem:s16], [sflag:$0x2] =	stream.indirect.gather [hbm4b:s4+s14], $0x40, s10, s14, $0xb8;
	[tilespmem:$0x1EE00] =	vst v63  }
0x28: {  	s11 =	simm.s32 $0x100  }
0x29: {  	[tilespmem:s17], [sflag:$0x3] =	stream.indirect.gather [hbm4b:s4+s14], $0x40, s11, s14, $0xb8;
	[tilespmem:$0x1EE00] =	vst v63  }
0x2a: {  	s12 =	simm.s32 $0x180  }
0x2b: {  	[tilespmem:s18], [sflag:$0x4] =	stream.indirect.gather [hbm4b:s4+s14], $0x40, s12, s14, $0xb8;
	[tilespmem:$0x1EE00] =	vst v63  }
0x2c: {  	s10 =	simm.s32 $0x200  }
0x2d: {  	[tilespmem:s19], [sflag:$0x5] =	stream.indirect.gather [hbm4b:s4+s14], $0x40, s10, s14, $0xb8;
	[tilespmem:$0x1EE00] =	vst v63  }
0x2e: {  	s11 =	simm.s32 $0x280  }
0x2f: {  	[tilespmem:s20], [sflag:$0x6] =	stream.indirect.gather [hbm4b:s4+s14], $0x40, s11, s14, $0xb8;
	[tilespmem:$0x1EE00] =	vst v63  }
0x30: {  	s12 =	simm.s32 $0x300  }
0x31: {  	[tilespmem:s21], [sflag:$0x7] =	stream.indirect.gather [hbm4b:s4+s14], $0x40, s12, s14, $0xb8;
	[tilespmem:$0x1EE00] =	vst v63  }
0x32: {  	s10 =	simm.s32 $0x380  }
0x33: {  	[tilespmem:s22], [sflag:$0x8] =	stream.indirect.gather [hbm4b:s4+s14], $0x40, s10, s14, $0xb8;
	[tilespmem:$0x1EE00] =	vst v63  }
0x34: {  	_ =	swait.ge [sflag:s23], $0x2000  }
0x35: {  	[sflag:s23] =	ssyncset.done $0x0  }
0x36: {  	s11 =	simm.s32 $0x2800;
	[sflag:s23] =	ssyncadd.s32 $0xFFFFE000  }
0x37: {  	[spmem:s2] =	stream.indirect.scatter.add.f32 [tilespmem:s15], [sflag:$0x9], $0x40, s11, s14, $0xb8;
	[tilespmem:$0x1EE00] =	vst v63  }
0x38: {  	_ =	swait.ge [sflag:s24], $0x2000  }
0x39: {  	[sflag:s24] =	ssyncset.done $0x0  }
0x3a: {  	s12 =	simm.s32 $0x2880;
	[sflag:s24] =	ssyncadd.s32 $0xFFFFE000  }
0x3b: {  	[spmem:s2] =	stream.indirect.scatter.add.f32 [tilespmem:s16], [sflag:$0xA], $0x40, s12, s14, $0xb8;
	[tilespmem:$0x1EE00] =	vst v63  }
0x3c: {  	_ =	swait.ge [sflag:s25], $0x2000  }
0x3d: {  	[sflag:s25] =	ssyncset.done $0x0  }
0x3e: {  	s10 =	simm.s32 $0x2900;
	[sflag:s25] =	ssyncadd.s32 $0xFFFFE000  }
0x3f: {  	[spmem:s2] =	stream.indirect.scatter.add.f32 [tilespmem:s17], [sflag:$0xB], $0x40, s10, s14, $0xb8;
	[tilespmem:$0x1EE00] =	vst v63  }
0x40: {  	_ =	swait.ge [sflag:s26], $0x2000  }
0x41: {  	[sflag:s26] =	ssyncset.done $0x0  }
0x42: {  	s11 =	simm.s32 $0x2980;
	[sflag:s26] =	ssyncadd.s32 $0xFFFFE000  }
0x43: {  	[spmem:s2] =	stream.indirect.scatter.add.f32 [tilespmem:s18], [sflag:$0xC], $0x40, s11, s14, $0xb8;
	[tilespmem:$0x1EE00] =	vst v63  }
0x44: {  	_ =	swait.ge [sflag:s28], $0x2000  }
0x45: {  	[sflag:s28] =	ssyncset.done $0x0  }
0x46: {  	s12 =	simm.s32 $0x2A00;
	[sflag:s28] =	ssyncadd.s32 $0xFFFFE000  }
0x47: {  	[spmem:s2] =	stream.indirect.scatter.add.f32 [tilespmem:s19], [sflag:$0xD], $0x40, s12, s14, $0xb8;
	[tilespmem:$0x1EE00] =	vst v63  }
0x48: {  	_ =	swait.ge [sflag:s29], $0x2000  }
0x49: {  	[sflag:s29] =	ssyncset.done $0x0  }
0x4a: {  	s10 =	simm.s32 $0x2A80;
	[sflag:s29] =	ssyncadd.s32 $0xFFFFE000  }
0x4b: {  	[spmem:s2] =	stream.indirect.scatter.add.f32 [tilespmem:s20], [sflag:$0xE], $0x40, s10, s14, $0xb8;
	[tilespmem:$0x1EE00] =	vst v63  }
0x4c: {  	_ =	swait.ge [sflag:s30], $0x2000  }
0x4d: {  	[sflag:s30] =	ssyncset.done $0x0  }
0x4e: {  	s11 =	simm.s32 $0x2B00;
	[sflag:s30] =	ssyncadd.s32 $0xFFFFE000  }
0x4f: {  	[spmem:s2] =	stream.indirect.scatter.add.f32 [tilespmem:s21], [sflag:$0xF], $0x40, s11, s14, $0xb8;
	[tilespmem:$0x1EE00] =	vst v63  }
0x50: {  	_ =	swait.ge [sflag:s31], $0x2000  }
0x51: {  	[sflag:s31] =	ssyncset.done $0x0  }
0x52: {  	s12 =	simm.s32 $0x2B80;
	[sflag:s31] =	ssyncadd.s32 $0xFFFFE000  }
0x53: {  	[spmem:s2] =	stream.indirect.scatter.add.f32 [tilespmem:s22], [sflag:$0x10], $0x40, s12, s14, $0xb8;
	[tilespmem:$0x1EE00] =	vst v63  }
0x54: {  	_ =	swait.ge [sflag:s1], $0x2000  }
0x55: {  	[sflag:s1] =	ssyncset.done $0x0  }
0x56: {  	[sflag:s1] =	ssyncadd.s32 $0xFFFFE000  }
0x57: {  	_ =	swait.ge [sflag:s0], $0x2000  }
0x58: {  	[sflag:s0] =	ssyncset.done $0x0  }
0x59: {  	[sflag:s0] =	ssyncadd.s32 $0xFFFFE000  }
0x5a: {  	_ =	swait.ge [sflag:s13], $0x2000  }
0x5b: {  	[sflag:s13] =	ssyncset.done $0x0  }
0x5c: {  	[sflag:s13] =	ssyncadd.s32 $0xFFFFE000  }
0x5d: {  	_ =	swait.ge [sflag:s3], $0x2000  }
0x5e: {  	[sflag:s3] =	ssyncset.done $0x0  }
0x5f: {  	[sflag:s3] =	ssyncadd.s32 $0xFFFFE000  }
0x60: {  	_ =	swait.ge [sflag:s5], $0x2000  }
0x61: {  	[sflag:s5] =	ssyncset.done $0x0  }
0x62: {  	[sflag:s5] =	ssyncadd.s32 $0xFFFFE000  }
0x63: {  	_ =	swait.ge [sflag:s7], $0x2000  }
0x64: {  	[sflag:s7] =	ssyncset.done $0x0  }
0x65: {  	[sflag:s7] =	ssyncadd.s32 $0xFFFFE000  }
0x66: {  	_ =	swait.ge [sflag:s8], $0x2000  }
0x67: {  	[sflag:s8] =	ssyncset.done $0x0  }
0x68: {  	[sflag:s8] =	ssyncadd.s32 $0xFFFFE000  }
0x69: {  	_ =	swait.ge [sflag:s9], $0x2000  }
0x6a: {  	s6 =	simm.s32 $0x1000;
	s11 =	simm.s32 $0x2000;
	[sflag:s9] =	ssyncset.done $0x0  }
.LBB2_2:
0x6b: {  	s12 =	sshra.s32 s6, $0x2  }
0x6c: {  	[sflag:s9] =	ssyncadd.s32 $0xFFFFE000;
	s6 =	smov.u32 s11;
	s10 =	sadd.s32 $0x1000, s11  }
0x6d: {  	[tilespmem:s15], [sflag:$0x1] =	stream.indirect.gather [hbm4b:s4+s14], $0x40, s12, s14, $0xb8;
	[tilespmem:$0x1EE00] =	vst v63  }
0x6e: {  	p0 =	sne.s32 s11, $0x9000;
	s11 =	sadd.s32 $0x80, s12  }
0x6f: {  	[tilespmem:s16], [sflag:$0x2] =	stream.indirect.gather [hbm4b:s4+s14], $0x40, s11, s14, $0xb8;
	[tilespmem:$0x1EE00] =	vst v63  }
0x70: {  	s11 =	sadd.s32 $0x100, s12  }
0x71: {  	[tilespmem:s17], [sflag:$0x3] =	stream.indirect.gather [hbm4b:s4+s14], $0x40, s11, s14, $0xb8;
	[tilespmem:$0x1EE00] =	vst v63  }
0x72: {  	s11 =	sadd.s32 $0x180, s12  }
0x73: {  	[tilespmem:s18], [sflag:$0x4] =	stream.indirect.gather [hbm4b:s4+s14], $0x40, s11, s14, $0xb8;
	[tilespmem:$0x1EE00] =	vst v63  }
0x74: {  	s11 =	sadd.s32 $0x200, s12  }
0x75: {  	[tilespmem:s19], [sflag:$0x5] =	stream.indirect.gather [hbm4b:s4+s14], $0x40, s11, s14, $0xb8;
	[tilespmem:$0x1EE00] =	vst v63  }
0x76: {  	s11 =	sadd.s32 $0x280, s12  }
0x77: {  	[tilespmem:s20], [sflag:$0x6] =	stream.indirect.gather [hbm4b:s4+s14], $0x40, s11, s14, $0xb8;
	[tilespmem:$0x1EE00] =	vst v63  }
0x78: {  	s11 =	sadd.s32 $0x300, s12  }
0x79: {  	[tilespmem:s21], [sflag:$0x7] =	stream.indirect.gather [hbm4b:s4+s14], $0x40, s11, s14, $0xb8;
	[tilespmem:$0x1EE00] =	vst v63  }
0x7a: {  	s11 =	sadd.s32 $0x380, s12  }
0x7b: {  	[tilespmem:s22], [sflag:$0x8] =	stream.indirect.gather [hbm4b:s4+s14], $0x40, s11, s14, $0xb8;
	[tilespmem:$0x1EE00] =	vst v63  }
0x7c: {  	_ =	swait.ge [sflag:s23], $0x2000  }
0x7d: {  	[sflag:s23] =	ssyncset.done $0x0  }
0x7e: {  	s11 =	sadd.s32 $0x2800, s12;
	[sflag:s23] =	ssyncadd.s32 $0xFFFFE000  }
0x7f: {  	[spmem:s2] =	stream.indirect.scatter.add.f32 [tilespmem:s15], [sflag:$0x9], $0x40, s11, s14, $0xb8;
	[tilespmem:$0x1EE00] =	vst v63  }
0x80: {  	_ =	swait.ge [sflag:s24], $0x2000  }
0x81: {  	[sflag:s24] =	ssyncset.done $0x0  }
0x82: {  	s11 =	sadd.s32 $0x2880, s12;
	[sflag:s24] =	ssyncadd.s32 $0xFFFFE000  }
0x83: {  	[spmem:s2] =	stream.indirect.scatter.add.f32 [tilespmem:s16], [sflag:$0xA], $0x40, s11, s14, $0xb8;
	[tilespmem:$0x1EE00] =	vst v63  }
0x84: {  	_ =	swait.ge [sflag:s25], $0x2000  }
0x85: {  	[sflag:s25] =	ssyncset.done $0x0  }
0x86: {  	s11 =	sadd.s32 $0x2900, s12;
	[sflag:s25] =	ssyncadd.s32 $0xFFFFE000  }
0x87: {  	[spmem:s2] =	stream.indirect.scatter.add.f32 [tilespmem:s17], [sflag:$0xB], $0x40, s11, s14, $0xb8;
	[tilespmem:$0x1EE00] =	vst v63  }
0x88: {  	_ =	swait.ge [sflag:s26], $0x2000  }
0x89: {  	[sflag:s26] =	ssyncset.done $0x0  }
0x8a: {  	s11 =	sadd.s32 $0x2980, s12;
	[sflag:s26] =	ssyncadd.s32 $0xFFFFE000  }
0x8b: {  	[spmem:s2] =	stream.indirect.scatter.add.f32 [tilespmem:s18], [sflag:$0xC], $0x40, s11, s14, $0xb8;
	[tilespmem:$0x1EE00] =	vst v63  }
0x8c: {  	_ =	swait.ge [sflag:s28], $0x2000  }
0x8d: {  	[sflag:s28] =	ssyncset.done $0x0  }
0x8e: {  	s11 =	sadd.s32 $0x2A00, s12;
	[sflag:s28] =	ssyncadd.s32 $0xFFFFE000  }
0x8f: {  	[spmem:s2] =	stream.indirect.scatter.add.f32 [tilespmem:s19], [sflag:$0xD], $0x40, s11, s14, $0xb8;
	[tilespmem:$0x1EE00] =	vst v63  }
0x90: {  	_ =	swait.ge [sflag:s29], $0x2000  }
0x91: {  	[sflag:s29] =	ssyncset.done $0x0  }
0x92: {  	s11 =	sadd.s32 $0x2A80, s12;
	[sflag:s29] =	ssyncadd.s32 $0xFFFFE000  }
0x93: {  	[spmem:s2] =	stream.indirect.scatter.add.f32 [tilespmem:s20], [sflag:$0xE], $0x40, s11, s14, $0xb8;
	[tilespmem:$0x1EE00] =	vst v63  }
0x94: {  	_ =	swait.ge [sflag:s30], $0x2000  }
0x95: {  	[sflag:s30] =	ssyncset.done $0x0  }
0x96: {  	s11 =	sadd.s32 $0x2B00, s12;
	[sflag:s30] =	ssyncadd.s32 $0xFFFFE000  }
0x97: {  	[spmem:s2] =	stream.indirect.scatter.add.f32 [tilespmem:s21], [sflag:$0xF], $0x40, s11, s14, $0xb8;
	[tilespmem:$0x1EE00] =	vst v63  }
0x98: {  	_ =	swait.ge [sflag:s31], $0x2000  }
0x99: {  	[sflag:s31] =	ssyncset.done $0x0  }
0x9a: {  	s11 =	sadd.s32 $0x2B80, s12;
	[sflag:s31] =	ssyncadd.s32 $0xFFFFE000  }
0x9b: {  	[spmem:s2] =	stream.indirect.scatter.add.f32 [tilespmem:s22], [sflag:$0x10], $0x40, s11, s14, $0xb8;
	[tilespmem:$0x1EE00] =	vst v63  }
0x9c: {  	_ =	swait.ge [sflag:s1], $0x2000  }
0x9d: {  	[sflag:s1] =	ssyncset.done $0x0  }
0x9e: {  	[sflag:s1] =	ssyncadd.s32 $0xFFFFE000  }
0x9f: {  	_ =	swait.ge [sflag:s0], $0x2000  }
0xa0: {  	[sflag:s0] =	ssyncset.done $0x0  }
0xa1: {  	[sflag:s0] =	ssyncadd.s32 $0xFFFFE000  }
0xa2: {  	_ =	swait.ge [sflag:s13], $0x2000  }
0xa3: {  	[sflag:s13] =	ssyncset.done $0x0  }
0xa4: {  	[sflag:s13] =	ssyncadd.s32 $0xFFFFE000  }
0xa5: {  	_ =	swait.ge [sflag:s3], $0x2000  }
0xa6: {  	[sflag:s3] =	ssyncset.done $0x0  }
0xa7: {  	[sflag:s3] =	ssyncadd.s32 $0xFFFFE000  }
0xa8: {  	_ =	swait.ge [sflag:s5], $0x2000  }
0xa9: {  	[sflag:s5] =	ssyncset.done $0x0  }
0xaa: {  	[sflag:s5] =	ssyncadd.s32 $0xFFFFE000  }
0xab: {  	_ =	swait.ge [sflag:s7], $0x2000  }
0xac: {  	[sflag:s7] =	ssyncset.done $0x0  }
0xad: {  	[sflag:s7] =	ssyncadd.s32 $0xFFFFE000  }
.Ltmp0:
0xae: {  	_ =	swait.ge [sflag:s8], $0x2000;
	(pc) =	sbr.rel @p0 .LBB2_2-.Ltmp0, $4  }
0xaf: {  	[sflag:s8] =	ssyncset.done $0x0  }
0xb0: {  	[sflag:s8] =	ssyncadd.s32 $0xFFFFE000  }
0xb1: {  	_ =	swait.ge [sflag:s9], $0x2000  }
0xb2: {  	s11 =	smov.u32 s10;
	[sflag:s9] =	ssyncset.done $0x0  }
0xb3: {  	s6 =	sshra.s32 s6, $0x2;
	[sflag:s9] =	ssyncadd.s32 $0xFFFFE000  }
0xb4: {  	[tilespmem:s15], [sflag:$0x1] =	stream.indirect.gather [hbm4b:s4+s14], $0x40, s6, s14, $0xb8;
	[tilespmem:$0x1EE00] =	vst v63  }
0xb5: {  	s10 =	sadd.s32 $0x80, s6  }
0xb6: {  	[tilespmem:s16], [sflag:$0x2] =	stream.indirect.gather [hbm4b:s4+s14], $0x40, s10, s14, $0xb8;
	[tilespmem:$0x1EE00] =	vst v63  }
0xb7: {  	s12 =	sadd.s32 $0x100, s6  }
0xb8: {  	[tilespmem:s17], [sflag:$0x3] =	stream.indirect.gather [hbm4b:s4+s14], $0x40, s12, s14, $0xb8;
	[tilespmem:$0x1EE00] =	vst v63  }
0xb9: {  	s11 =	sadd.s32 $0x180, s6  }
0xba: {  	[tilespmem:s18], [sflag:$0x4] =	stream.indirect.gather [hbm4b:s4+s14], $0x40, s11, s14, $0xb8;
	[tilespmem:$0x1EE00] =	vst v63  }
0xbb: {  	s12 =	sadd.s32 $0x200, s6  }
0xbc: {  	[tilespmem:s19], [sflag:$0x5] =	stream.indirect.gather [hbm4b:s4+s14], $0x40, s12, s14, $0xb8;
	[tilespmem:$0x1EE00] =	vst v63  }
0xbd: {  	s11 =	sadd.s32 $0x280, s6  }
0xbe: {  	[tilespmem:s20], [sflag:$0x6] =	stream.indirect.gather [hbm4b:s4+s14], $0x40, s11, s14, $0xb8;
	[tilespmem:$0x1EE00] =	vst v63  }
0xbf: {  	s12 =	sadd.s32 $0x300, s6  }
0xc0: {  	[tilespmem:s21], [sflag:$0x7] =	stream.indirect.gather [hbm4b:s4+s14], $0x40, s12, s14, $0xb8;
	[tilespmem:$0x1EE00] =	vst v63  }
0xc1: {  	s11 =	sadd.s32 $0x380, s6  }
0xc2: {  	[tilespmem:s22], [sflag:$0x8] =	stream.indirect.gather [hbm4b:s4+s14], $0x40, s11, s14, $0xb8;
	[tilespmem:$0x1EE00] =	vst v63  }
0xc3: {  	_ =	swait.ge [sflag:s23], $0x2000  }
0xc4: {  	[sflag:s23] =	ssyncset.done $0x0  }
0xc5: {  	s12 =	sadd.s32 $0x2800, s6;
	[sflag:s23] =	ssyncadd.s32 $0xFFFFE000  }
0xc6: {  	[spmem:s2] =	stream.indirect.scatter.add.f32 [tilespmem:s15], [sflag:$0x9], $0x40, s12, s14, $0xb8;
	[tilespmem:$0x1EE00] =	vst v63  }
0xc7: {  	_ =	swait.ge [sflag:s24], $0x2000  }
0xc8: {  	[sflag:s24] =	ssyncset.done $0x0  }
0xc9: {  	s11 =	sadd.s32 $0x2880, s6;
	[sflag:s24] =	ssyncadd.s32 $0xFFFFE000  }
0xca: {  	[spmem:s2] =	stream.indirect.scatter.add.f32 [tilespmem:s16], [sflag:$0xA], $0x40, s11, s14, $0xb8;
	[tilespmem:$0x1EE00] =	vst v63  }
0xcb: {  	_ =	swait.ge [sflag:s25], $0x2000  }
0xcc: {  	[sflag:s25] =	ssyncset.done $0x0  }
0xcd: {  	s12 =	sadd.s32 $0x2900, s6;
	[sflag:s25] =	ssyncadd.s32 $0xFFFFE000  }
0xce: {  	[spmem:s2] =	stream.indirect.scatter.add.f32 [tilespmem:s17], [sflag:$0xB], $0x40, s12, s14, $0xb8;
	[tilespmem:$0x1EE00] =	vst v63  }
0xcf: {  	_ =	swait.ge [sflag:s26], $0x2000  }
0xd0: {  	[sflag:s26] =	ssyncset.done $0x0  }
0xd1: {  	s11 =	sadd.s32 $0x2980, s6;
	[sflag:s26] =	ssyncadd.s32 $0xFFFFE000  }
0xd2: {  	[spmem:s2] =	stream.indirect.scatter.add.f32 [tilespmem:s18], [sflag:$0xC], $0x40, s11, s14, $0xb8;
	[tilespmem:$0x1EE00] =	vst v63  }
0xd3: {  	_ =	swait.ge [sflag:s28], $0x2000  }
0xd4: {  	[sflag:s28] =	ssyncset.done $0x0  }
0xd5: {  	s12 =	sadd.s32 $0x2A00, s6;
	[sflag:s28] =	ssyncadd.s32 $0xFFFFE000  }
0xd6: {  	[spmem:s2] =	stream.indirect.scatter.add.f32 [tilespmem:s19], [sflag:$0xD], $0x40, s12, s14, $0xb8;
	[tilespmem:$0x1EE00] =	vst v63  }
0xd7: {  	_ =	swait.ge [sflag:s29], $0x2000  }
0xd8: {  	[sflag:s29] =	ssyncset.done $0x0  }
0xd9: {  	s11 =	sadd.s32 $0x2A80, s6;
	[sflag:s29] =	ssyncadd.s32 $0xFFFFE000  }
0xda: {  	[spmem:s2] =	stream.indirect.scatter.add.f32 [tilespmem:s20], [sflag:$0xE], $0x40, s11, s14, $0xb8;
	[tilespmem:$0x1EE00] =	vst v63  }
0xdb: {  	_ =	swait.ge [sflag:s30], $0x2000  }
0xdc: {  	[sflag:s30] =	ssyncset.done $0x0  }
0xdd: {  	s12 =	sadd.s32 $0x2B00, s6;
	[sflag:s30] =	ssyncadd.s32 $0xFFFFE000  }
0xde: {  	[spmem:s2] =	stream.indirect.scatter.add.f32 [tilespmem:s21], [sflag:$0xF], $0x40, s12, s14, $0xb8;
	[tilespmem:$0x1EE00] =	vst v63  }
0xdf: {  	_ =	swait.ge [sflag:s31], $0x2000  }
0xe0: {  	[sflag:s31] =	ssyncset.done $0x0  }
0xe1: {  	s6 =	sadd.s32 $0x2B80, s6;
	[sflag:s31] =	ssyncadd.s32 $0xFFFFE000  }
0xe2: {  	[spmem:s2] =	stream.indirect.scatter.add.f32 [tilespmem:s22], [sflag:$0x10], $0x40, s6, s14, $0xb8;
	[tilespmem:$0x1EE00] =	vst v63  }
0xe3: {  	_ =	swait.ge [sflag:s1], $0x2000  }
0xe4: {  	[sflag:s1] =	ssyncset.done $0x0  }
0xe5: {  	[sflag:s1] =	ssyncadd.s32 $0xFFFFE000  }
0xe6: {  	_ =	swait.ge [sflag:s0], $0x2000  }
0xe7: {  	[sflag:s0] =	ssyncset.done $0x0  }
0xe8: {  	[sflag:s0] =	ssyncadd.s32 $0xFFFFE000  }
0xe9: {  	_ =	swait.ge [sflag:s13], $0x2000  }
0xea: {  	[sflag:s13] =	ssyncset.done $0x0  }
0xeb: {  	[sflag:s13] =	ssyncadd.s32 $0xFFFFE000  }
0xec: {  	_ =	swait.ge [sflag:s3], $0x2000  }
0xed: {  	[sflag:s3] =	ssyncset.done $0x0  }
0xee: {  	[sflag:s3] =	ssyncadd.s32 $0xFFFFE000  }
0xef: {  	_ =	swait.ge [sflag:s5], $0x2000  }
0xf0: {  	[sflag:s5] =	ssyncset.done $0x0  }
0xf1: {  	[sflag:s5] =	ssyncadd.s32 $0xFFFFE000  }
0xf2: {  	_ =	swait.ge [sflag:s7], $0x2000  }
0xf3: {  	[sflag:s7] =	ssyncset.done $0x0  }
0xf4: {  	[sflag:s7] =	ssyncadd.s32 $0xFFFFE000  }
0xf5: {  	_ =	swait.ge [sflag:s8], $0x2000  }
0xf6: {  	[sflag:s8] =	ssyncset.done $0x0  }
0xf7: {  	[sflag:s8] =	ssyncadd.s32 $0xFFFFE000  }
0xf8: {  	_ =	swait.ge [sflag:s9], $0x2000  }
0xf9: {  	[sflag:s9] =	ssyncset.done $0x0  }
0xfa: {  	[sflag:s9] =	ssyncadd.s32 $0xFFFFE000  }
0xfb: {  	[bflag:$0x0] =	sbarrier.arrive $0xFFFF  }
0xfc: {  	s6 =	rddreg [dreg:$0x4]  }
0xfd: {  	s12 =	rddreg [dreg:$0x7]  }
0xfe: {  	s11 =	rddreg [dreg:$0x9]  }
0xff: {  	[hbm:s12], [sflag:s6] =	dma.local [spmem:s11], $0x13C0  }
0x100: {  	s12 =	simm.s32 $0x11  }
0x101: {  	_ =	swait.ge [sflag:s12], $0x13C0  }
0x102: {  	s6 =	rddreg [dreg:$0xa]  }
0x103: {  	s10 =	sadd.s32 $0x1, s6;
	s6 =	rddreg [dreg:$0x8]  }
0x104: {  	p0 =	sne.s32 s10, s6  }
.Ltmp1:
0x105: {  	_ = 	snop;
	(pc) =	sbr.rel @p0 .LBB2_1-.Ltmp1, $3  }
0x106: {  	_ =	sdelay $0x1  }
0x107: {  	[sflag:s12] =	ssyncset.done $0x0;
	[dreg:$0xa] =	wrdreg s10  }
0x108: {  	[sflag:s12] =	ssyncadd.s32 $0xFFFFEC40;
	s10 =	rddreg [dreg:$0x4]  }
0x109: {  	_ =	sfence.sel $0x180000  }
0x10a: {  	[bflag:$0x0] =	sbarrier.arrive $0xFFFF  }
0x10b: {  	_ =	strace $0x9000004A  }
0x10c: {  	s0 =	stileid.u32;
	[bflag:$0x2] =	sbarrier.arrive $0xFFFF  }
0x10d: {  	p0 =	sne.s32 s0, $0x0;
	s0 =	rddreg [dreg:$0x2]  }
0x10e: {  	s0 =	sadd.s32 @!p0 $0x100000, s0  }
0x10f: {  	[sflag:s0] =	ssyncadd.tile.s32 @!p0 $0x1;
	_ =	shalt  }
.Lfunc_end2:
_tile_overlayer_lowered:
.L_overlay_start_2:
0x110: {  	(tag) =	ssettag $0x2  }
0x111: {  	s0 =	rddreg [dreg:$0x0];
	s2 =	stileid.u32  }
0x112: {  	s1 =	rddreg [dreg:$0x1];
	p0 =	sne.s32 s2, $0x0  }
0x113: {  	s3 =	rddreg [dreg:$0x2];
	[bflag:$0x3] =	sbarrier.arrive $0xFFFF;
	s2 =	simm.s32 @!p0 $0x1C11  }
0x114: {  	[timem:s3], [sflag:s2] =	dma.local @!p0 [hbm:s0], s1  }
0x115: {  	s0 =	simm.s32 @!p0 $0x11  }
0x116: {  	_ =	swait.ge @!p0 [sflag:s0], s1  }
0x117: {  	s1 =	ssub.s32 @!p0 $0x0, s1;
	[sflag:s0] =	ssyncset.done @!p0 $0x0  }
0x118: {  	[sflag:s0] =	ssyncadd.s32 @!p0 s1  }
0x119: {  	[bflag:$0x3] =	sbarrier.arrive $0xFFFF  }
0x11a: {  	_ =	shalt  }

// kernel: kernel.14.cloned.1.call-start
scs
__scs_entry_jumppad:
0x0: {  	(pc) =	sbr.rel $0x88, $3  }
0x1: {  	(tag) =	ssettag $0x0;
	lr =	simm.s32 $0x1  }
0x2: {  	[smem:$0x3F98] =	sst lr;
	_ =	strace $0xD0000000  }
0x3: {  	_ = 	snop  }
0x4: {  	_ = 	snop  }
0x5: {  	_ = 	snop  }
0x6: {  	_ = 	snop  }
0x7: {  	_ = 	snop  }
__scs_overlays_trampoline_lowered:
0x8: {  	[smem:$0x3FA7] =	sst s0  }
0x9: {  	[smem:$0x3FA8] =	sst s1  }
0xa: {  	[smem:$0x3FA9] =	sst s2  }
0xb: {  	[smem:$0x3FAA] =	sst s3  }
0xc: {  	[smem:$0x3FAB] =	sst s4  }
0xd: {  	[smem:$0x3FAC] =	sst s5  }
0xe: {  	[smem:$0x3FAD] =	sst s6  }
0xf: {  	[smem:$0x3FAE] =	sst s7  }
0x10: {  	[smem:$0x3FAF] =	sst s8  }
0x11: {  	[smem:$0x3FB0] =	sst s9;
	s0 =	simm.s32 @!p0 $0x0  }
0x12: {  	s1 =	sld [smem:$0x3F96];
	s0 =	simm.s32 @p0 $0x1  }
0x13: {  	[smem:$0x3FB1] =	sst s0;
	s0 =	simm.s32 @!p1 $0x0  }
0x14: {  	s2 =	sld [smem:$0x3F95];
	s0 =	simm.s32 @p1 $0x1  }
0x15: {  	[smem:$0x3FB2] =	sst s0;
	s0 =	simm.s32 @!p2 $0x0  }
0x16: {  	s3 =	sld [smem:$0x3FDB];
	s0 =	simm.s32 @p2 $0x1  }
0x17: {  	s4 =	simm.s32 $0x1BF5;
	[smem:$0x3FB4] =	sst s0  }
0x18: {  	s0 =	sld [smem:$0x3F97];
	_ =	swait.ge [sflag:s4], $0x0  }
0x19: {  	s7 =	sld [smem:$0x3F98]  }
0x1a: {  	s8 =	sadd.s32 $0xFFFFE003, lr  }
0x1b: {  	s9 =	sadd.s32 $0xFFFFFEF7, lr;
	s5 =	simm.s32 $0xFFFFFFFF;
	p2 =	slt.u32 s8, $0xFFFFF086  }
0x1c: {  	p1 =	slt.u32 s9, $0xF7A;
	s5 =	simm.s32 @!p2 $0x0  }
0x1d: {  	s5 =	simm.s32 @p1 $0x1;
	p0 =	seq.s32 s7, s2  }
0x1e: {  	s7 =	smul.u32 @!p0 $0xF7A, s2;
	p2 =	seq.s32 @!p0 s5, $0x0  }
0x1f: {  	s9 =	smul.u32 $0xF7A, s1;
	s8 =	simm.s32 @!p0 $0x1BF5;
	p2 =	por !p2, p0  }
0x20: {  	[sflag:s8] =	ssyncset.s32 @!p0 $0xFFFFF086;
	s6 =	sadd.s32 @!p0 s3, s7;
	s7 =	simm.s32 @!p0 $0x108  }
0x21: {  	s3 =	sadd.s32 s3, s9;
	s6 =	sadd.s32 @!p0 $0x88, s6;
	s7 =	simm.s32 @p2 $0x1082  }
0x22: {  	[simem:s7], [sflag:s8] =	dma.local @!p0 [hbm:s6], $0xF7A  }
0x23: {  	s9 =	sor.u32 $0xD0000000, s2;
	s6 =	simm.s32 $0x108;
	_ =	swait.ge @!p0 [sflag:s8], $0x0  }
0x24: {  	s3 =	sadd.s32 $0x88, s3;
	s6 =	simm.s32 @!p1 $0x1082;
	[sflag:s4] =	ssyncset.s32 $0xFFFFF086  }
0x25: {  	[simem:s6], [sflag:s4] =	dma.local [hbm:s3], $0xF7A  }
0x26: {  	[smem:$0x3F98] =	sst s1;
	(tag) =	ssettag s2;
	_ =	strace s9  }
0x27: {  	s1 =	sld [smem:$0x3FA8]  }
0x28: {  	s2 =	sld [smem:$0x3FA9]  }
0x29: {  	s4 =	sld [smem:$0x3FAB]  }
0x2a: {  	p0 =	seq.s32 s5, $0x0;
	s5 =	sld [smem:$0x3FAC]  }
0x2b: {  	s6 =	sld [smem:$0x3FAD]  }
0x2c: {  	s7 =	sld [smem:$0x3FAE]  }
0x2d: {  	s3 =	simm.s32 $0x108;
	s8 =	sld [smem:$0x3FAF]  }
0x2e: {  	s3 =	simm.s32 @!p0 $0x1082;
	s9 =	sld [smem:$0x3FB0]  }
0x2f: {  	lr =	sadd.s32 s0, s3;
	s0 =	sld [smem:$0x3FA7]  }
0x30: {  	s3 =	sld [smem:$0x3FAA]  }
0x31: {  	[smem:$0x3FB3] =	sst s10  }
0x32: {  	s10 =	sld [smem:$0x3FB1];
	_ =	sdelay $0x3  }
0x33: {  	p0 =	seq.s32 s10, $0x1;
	s10 =	sld [smem:$0x3FB3];
	_ =	sdelay $0x3  }
0x34: {  	[smem:$0x3FB3] =	sst s10  }
0x35: {  	s10 =	sld [smem:$0x3FB2];
	_ =	sdelay $0x3  }
0x36: {  	p1 =	seq.s32 s10, $0x1;
	s10 =	sld [smem:$0x3FB3];
	_ =	sdelay $0x3  }
0x37: {  	[smem:$0x3FB3] =	sst s10  }
0x38: {  	s10 =	sld [smem:$0x3FB4]  }
0x39: {  	_ = 	snop;
	(pc) =	sbr.ind lr, $3  }
0x3a: {  	_ = 	snop  }
0x3b: {  	_ = 	snop  }
0x3c: {  	p2 =	seq.s32 s10, $0x1;
	s10 =	sld [smem:$0x3FB3]  }
0x3d: {  	_ =	shalt  }
0x3e: {  	_ =	shalt  }
0x3f: {  	_ =	shalt  }
0x40: {  	_ =	shalt  }
0x41: {  	_ =	shalt  }
0x42: {  	_ =	shalt  }
0x43: {  	_ =	shalt  }
0x44: {  	_ =	shalt  }
0x45: {  	_ =	shalt  }
0x46: {  	_ =	shalt  }
0x47: {  	_ =	shalt  }
0x48: {  	_ =	shalt  }
0x49: {  	_ =	shalt  }
0x4a: {  	_ =	shalt  }
0x4b: {  	_ =	shalt  }
0x4c: {  	_ =	shalt  }
0x4d: {  	_ =	shalt  }
0x4e: {  	_ =	shalt  }
0x4f: {  	_ =	shalt  }
0x50: {  	_ =	shalt  }
0x51: {  	_ =	shalt  }
0x52: {  	_ =	shalt  }
0x53: {  	_ =	shalt  }
0x54: {  	_ =	shalt  }
0x55: {  	_ =	shalt  }
0x56: {  	_ =	shalt  }
0x57: {  	_ =	shalt  }
0x58: {  	_ =	shalt  }
0x59: {  	_ =	shalt  }
0x5a: {  	_ =	shalt  }
0x5b: {  	_ =	shalt  }
0x5c: {  	_ =	shalt  }
0x5d: {  	_ =	shalt  }
0x5e: {  	_ =	shalt  }
0x5f: {  	_ =	shalt  }
0x60: {  	_ =	shalt  }
0x61: {  	_ =	shalt  }
0x62: {  	_ =	shalt  }
0x63: {  	_ =	shalt  }
0x64: {  	_ =	shalt  }
0x65: {  	_ =	shalt  }
0x66: {  	_ =	shalt  }
0x67: {  	_ =	shalt  }
0x68: {  	_ =	shalt  }
0x69: {  	_ =	shalt  }
0x6a: {  	_ =	shalt  }
0x6b: {  	_ =	shalt  }
0x6c: {  	_ =	shalt  }
0x6d: {  	_ =	shalt  }
0x6e: {  	_ =	shalt  }
0x6f: {  	_ =	shalt  }
0x70: {  	_ =	shalt  }
0x71: {  	_ =	shalt  }
0x72: {  	_ =	shalt  }
0x73: {  	_ =	shalt  }
0x74: {  	_ =	shalt  }
0x75: {  	_ =	shalt  }
0x76: {  	_ =	shalt  }
0x77: {  	_ =	shalt  }
0x78: {  	_ =	shalt  }
0x79: {  	_ =	shalt  }
0x7a: {  	_ =	shalt  }
0x7b: {  	_ =	shalt  }
0x7c: {  	_ =	shalt  }
0x7d: {  	_ =	shalt  }
0x7e: {  	_ =	shalt  }
0x7f: {  	_ =	shalt  }
0x80: {  	_ =	shalt  }
0x81: {  	_ =	shalt  }
0x82: {  	_ =	shalt  }
0x83: {  	_ =	shalt  }
0x84: {  	_ =	shalt  }
0x85: {  	_ =	shalt  }
0x86: {  	_ =	shalt  }
0x87: {  	_ =	shalt  }
.Lfunc_end0:
.L_simem_size_0:
called_computation.2_lowered:
.L_overlay_start_0:
0x88: {  	s2 =	sld [smem:$0x3FD9]  }
0x89: {  	s3 =	sld [smem:$0x3FFE];
	_ =	sdelay $0x1  }
0x8a: {  	s1 =	srdreg.scid  }
0x8b: {  	s0 =	sand.u32 $0x1, s1  }
0x8c: {  	s16 =	sshll.u32 s0, $0xA;
	s2 =	sadd.s32 s3, s2  }
0x8d: {  	s2 =	sadd.s32 s2, s16  }
0x8e: {  	[smem:$0x3FBF] =	sst s2  }
0x8f: {  	_ = 	snop  }
0x90: {  	(tm) =	ssettm $0x1  }
0x91: {  	s17 =	sld [smem:$0x3FFB];
	_ =	sdelay $0x3  }
0x92: {  	_ =	strace s17  }
0x93: {  	s2 =	sld [smem:$0x3FFC];
	_ =	sdelay $0x3  }
0x94: {  	_ =	strace s2  }
0x95: {  	s2 =	sld [smem:$0x3FFD];
	_ =	sdelay $0x3  }
0x96: {  	_ =	strace s2  }
0x97: {  	_ =	strace $0x8FFFFFFF  }
0x98: {  	s18 =	sld [smem:$0x3FDB];
	_ =	sdelay $0x1  }
0x99: {  	s19 =	simm.s32 $_scs_section_size  }
0x9a: {  	s4 =	simm.s32 $_size__tile_overlayer_lowered;
	s5 =	simm.s32 $_tile_overlayer_lowered  }
0x9b: {  	s22 =	simm.s32 $0x1BFF;
	s21 =	sshll.u32 s5, $0x1;
	s2 =	sadd.s32 s19, s18  }
0x9c: {  	s6 =	simm.s32 $0x0;
	s20 =	sshll.u32 s4, $0x1;
	s4 =	sadd.s32 s21, s2  }
0x9d: {  	[timem:s6], [sflag:s22] =	dma.local [hbm:s4], s20  }
0x9e: {  	_ =	swait.ge [sflag:s22], s20  }
0x9f: {  	s3 =	ssub.s32 $0x0, s20;
	[sflag:s22] =	ssyncset.done $0x0  }
0xa0: {  	[sflag:s22] =	ssyncadd.s32 s3;
	_ =	sdelay $0x1  }
0xa1: {  	s23 =	simm.s32 $0x1B8B  }
0xa2: {  	_ =	swait.ge [sflag:s23], $0x1  }
0xa3: {  	[sflag:s23] =	ssyncset.done $0x0  }
0xa4: {  	s25 =	simm.s32 $0x1B8E;
	s24 =	sld [smem:$0x3FFE];
	[sflag:s23] =	ssyncadd.s32 $0xFFFFFFFF  }
0xa5: {  	s26 =	simm.s32 $execute0_lowered;
	[smem:$0x3FD2] =	sst s25  }
0xa6: {  	s4 =	sshll.u32 s26, $0x1;
	_ =	strace $0x8000004C;
	[dreg:$0x1] =	wrdreg $0xFFFFFFFF  }
0xa7: {  	s28 =	simm.s32 $_size_execute0_lowered;
	s2 =	sadd.s32 s2, s4;
	[dreg:$0x0] =	wrdreg $0x0  }
0xa8: {  	s4 =	sshll.u32 s28, $0x1;
	[dreg:$0x2] =	wrdreg s2  }
0xa9: {  	[dreg:$0x3] =	wrdreg s4  }
0xaa: {  	[dreg:$0x4] =	wrdreg $0xC0  }
0xab: {  	_ =	task [dreg:s6], $0x5FFFF  }
0xac: {  	[dreg:$0x1] =	wrdreg $0xFFFFFFFF  }
0xad: {  	[dreg:$0x0] =	wrdreg $0x60  }
0xae: {  	[dreg:$0x2] =	wrdreg s24  }
0xaf: {  	[dreg:$0x3] =	wrdreg $0x150000  }
0xb0: {  	[dreg:$0x4] =	wrdreg $0x9  }
0xb1: {  	_ =	task.clear_ibuf [dreg:s6], $0x5FFFF;
	_ =	strace $0x9000004C  }
0xb2: {  	s29 =	simm.s32 $0x9;
	_ =	strace $0x8000004E  }
0xb3: {  	_ =	swait.ge [sflag:s29], $0x1  }
0xb4: {  	[sflag:s29] =	ssyncadd.s32 $0xFFFFFFFF  }
0xb5: {  	_ =	strace $0x9000004E  }
0xb6: {  	_ =	sfence  }
0xb7: {  	s30 =	sld [smem:$0x0];
	_ =	sdelay $0x2  }
0xb8: {  	s31 =	sshll.u32 s1, $0xD;
	s1 =	sshrl.u32 s1, $0x2  }
0xb9: {  	s3 =	sand.u32 $0x4000, s31;
	s1 =	sadd.s32 s1, s30  }
0xba: {  	s0 =	sor.u32 s3, s0;
	s1 =	sshll.u32 s1, $0x11  }
0xbb: {  	s0 =	sor.u32 s1, s0  }
0xbc: {  	s0 =	sadd.s32 $0x8F2B, s0  }
0xbd: {  	[sflag:s0] =	ssyncadd.remote.s32 $0x1  }
0xbe: {  	_ =	sfence.sel $0xFFFF  }
0xbf: {  	[dreg:$0x0] =	wrdreg $0xFFFFFFFF;
	(pc) =	sbr.abs _section_cstart, $3  }
0xc0: {  	[dreg:$0x1] =	wrdreg $0xFFFFFFFF  }
0xc1: {  	_ =	task.clear_ibuf [dreg:s6], $0x2FFFF;
	_ =	strace $0x9FFFFFFF  }
0xc2: {  	(tm) =	ssettm $0x7FFFFFFF  }
0xc3: {  	_ =	shalt  }
tec
execute0_lowered:
.L_overlay_start_1:
0x0: {  	(tag) =	ssettag $0x1  }
0x1: {  	s0 =	srdreg.scid;
	s3 =	rddreg [dreg:$0x0]  }
0x2: {  	s7 =	stileid.u32;
	s2 =	rddreg [dreg:$0x1];
	s4 =	simm.s32 $0x0  }
0x3: {  	s12 =	simm.s32 $0x11;
	s14 =	simm.s32 $0x80;
	s15 =	simm.s32 $0x5000  }
0x4: {  	s16 =	simm.s32 $0x7000;
	s17 =	simm.s32 $0x9000;
	s18 =	simm.s32 $0xB000  }
0x5: {  	s19 =	simm.s32 $0xD000;
	s20 =	simm.s32 $0xF000;
	s21 =	simm.s32 $0x11000  }
0x6: {  	s22 =	simm.s32 $0x13000;
	s23 =	simm.s32 $0x1;
	s28 =	simm.s32 $0x5  }
0x7: {  	s29 =	simm.s32 $0x6;
	s30 =	simm.s32 $0x7;
	s31 =	simm.s32 $0x8  }
0x8: {  	s13 =	simm.s32 $0xB;
	s9 =	simm.s32 $0x10;
	s0 =	sand.u32 $0x1, s0  }
0x9: {  	s5 =	smul.u32 $0x9E00, s7;
	[smem:$0x7FF] =	sst s4;
	s4 =	sadd.s32 $0x15800, s3  }
0xa: {  	s8 =	sadd.s32 $0x29200, s3;
	s1 =	sshll.u32 s0, $0x4;
	s6 =	smul.u32 $0x9E000, s0  }
0xb: {  	_ =	strace $0x8000004D;
	[dreg:$0x3] =	wrdreg s8;
	s0 =	ssub.s32 $0x2, s0  }
0xc: {  	s8 =	simm.s32 $0xF;
	s1 =	sor.u32 s7, s1;
	s24 =	sshrl.u32 s0, $0x1  }
0xd: {  	s7 =	sshll.u32 s7, $0x6;
	s1 =	smul.u32 $0x500, s1;
	s6 =	sadd.s32 s5, s6  }
0xe: {  	s0 =	ssub.s32 s0, s24;
	s5 =	sadd.s32 s5, s2;
	s10 =	sor.u32 $0x1C11, s7  }
0xf: {  	s6 =	sshrl.u32 s6, $0x3;
	s0 =	smax.u32 s0, $0x1;
	[dreg:$0x4] =	wrdreg s10  }
0x10: {  	s11 =	sshrl.u32 s5, $0x3;
	s1 =	sadd.s32 s1, s3;
	[dreg:$0x8] =	wrdreg s0  }
0x11: {  	s3 =	sadd.s32 s6, s3;
	s6 =	simm.s32 $0x0;
	[dreg:$0x9] =	wrdreg s11  }
0x12: {  	s24 =	simm.s32 $0x2;
	s25 =	sadd.s32 $0x1800, s1;
	[dreg:$0xa] =	wrdreg s6  }
0x13: {  	s7 =	simm.s32 $0xE;
	s1 =	sadd.s32 $0xB800, s1;
	[dreg:$0x5] =	wrdreg s25  }
0x14: {  	s5 =	simm.s32 $0xD;
	s26 =	sadd.s32 $0x2A600, s3;
	[dreg:$0x6] =	wrdreg s1  }
0x15: {  	s0 =	simm.s32 $0xA;
	s3 =	simm.s32 $0xC;
	[dreg:$0x7] =	wrdreg s26  }
0x16: {  	s25 =	simm.s32 $0x3;
	s26 =	simm.s32 $0x4;
	s1 =	simm.s32 $0x9  }
.LBB2_1:
0x17: {  	s6 =	rddreg [dreg:$0x3]  }
0x18: {  	[spmem:s11], [sflag:s10] =	dma.local [hbm:s6], $0x13C0  }
0x19: {  	_ =	swait.ge [sflag:s12], $0x13C0  }
0x1a: {  	[sflag:s12] =	ssyncset.done $0x0  }
0x1b: {  	s6 =	simm.s32 $0x0;
	s11 =	rddreg [dreg:$0x5];
	[sflag:s12] =	ssyncadd.s32 $0xFFFFEC40  }
0x1c: {  	[tilespmem:s6], [sflag:$0x11] =	stream.linear.gather [hbm4b:s11+s6], $0x2800, $0x38;
	[tilespmem:$0x1EE00] =	vst v63  }
0x1d: {  	_ =	swait.ge [sflag:s12], $0x2800  }
0x1e: {  	[sflag:s12] =	ssyncset.done $0x0  }
0x1f: {  	s11 =	simm.s32 $0x2800;
	s10 =	rddreg [dreg:$0x6];
	[sflag:s12] =	ssyncadd.s32 $0xFFFFD800  }
0x20: {  	[tilespmem:s11], [sflag:$0x11] =	stream.linear.gather [hbm4b:s10+s6], $0x2800, $0x38;
	[tilespmem:$0x1EE00] =	vst v63  }
0x21: {  	_ =	swait.ge [sflag:s12], $0x2800  }
0x22: {  	[sflag:s12] =	ssyncset.done $0x0  }
0x23: {  	[sflag:s12] =	ssyncadd.s32 $0xFFFFD800  }
0x24: {  	s12 =	simm.s32 $0x0;
	[bflag:$0x0] =	sbarrier.arrive $0xFFFF  }
0x25: {  	[tilespmem:s15], [sflag:$0x1] =	stream.indirect.gather [hbm4b:s4+s14], $0x40, s12, s14, $0xb8;
	[tilespmem:$0x1EE00] =	vst v63  }
0x26: {  	s10 =	simm.s32 $0x80  }
0x27: {  	[tilespmem:s16], [sflag:$0x2] =	stream.indirect.gather [hbm4b:s4+s14], $0x40, s10, s14, $0xb8;
	[tilespmem:$0x1EE00] =	vst v63  }
0x28: {  	s11 =	simm.s32 $0x100  }
0x29: {  	[tilespmem:s17], [sflag:$0x3] =	stream.indirect.gather [hbm4b:s4+s14], $0x40, s11, s14, $0xb8;
	[tilespmem:$0x1EE00] =	vst v63  }
0x2a: {  	s12 =	simm.s32 $0x180  }
0x2b: {  	[tilespmem:s18], [sflag:$0x4] =	stream.indirect.gather [hbm4b:s4+s14], $0x40, s12, s14, $0xb8;
	[tilespmem:$0x1EE00] =	vst v63  }
0x2c: {  	s10 =	simm.s32 $0x200  }
0x2d: {  	[tilespmem:s19], [sflag:$0x5] =	stream.indirect.gather [hbm4b:s4+s14], $0x40, s10, s14, $0xb8;
	[tilespmem:$0x1EE00] =	vst v63  }
0x2e: {  	s11 =	simm.s32 $0x280  }
0x2f: {  	[tilespmem:s20], [sflag:$0x6] =	stream.indirect.gather [hbm4b:s4+s14], $0x40, s11, s14, $0xb8;
	[tilespmem:$0x1EE00] =	vst v63  }
0x30: {  	s12 =	simm.s32 $0x300  }
0x31: {  	[tilespmem:s21], [sflag:$0x7] =	stream.indirect.gather [hbm4b:s4+s14], $0x40, s12, s14, $0xb8;
	[tilespmem:$0x1EE00] =	vst v63  }
0x32: {  	s10 =	simm.s32 $0x380  }
0x33: {  	[tilespmem:s22], [sflag:$0x8] =	stream.indirect.gather [hbm4b:s4+s14], $0x40, s10, s14, $0xb8;
	[tilespmem:$0x1EE00] =	vst v63  }
0x34: {  	_ =	swait.ge [sflag:s23], $0x2000  }
0x35: {  	[sflag:s23] =	ssyncset.done $0x0  }
0x36: {  	s11 =	simm.s32 $0x2800;
	[sflag:s23] =	ssyncadd.s32 $0xFFFFE000  }
0x37: {  	[spmem:s2] =	stream.indirect.scatter.add.f32 [tilespmem:s15], [sflag:$0x9], $0x40, s11, s14, $0xb8;
	[tilespmem:$0x1EE00] =	vst v63  }
0x38: {  	_ =	swait.ge [sflag:s24], $0x2000  }
0x39: {  	[sflag:s24] =	ssyncset.done $0x0  }
0x3a: {  	s12 =	simm.s32 $0x2880;
	[sflag:s24] =	ssyncadd.s32 $0xFFFFE000  }
0x3b: {  	[spmem:s2] =	stream.indirect.scatter.add.f32 [tilespmem:s16], [sflag:$0xA], $0x40, s12, s14, $0xb8;
	[tilespmem:$0x1EE00] =	vst v63  }
0x3c: {  	_ =	swait.ge [sflag:s25], $0x2000  }
0x3d: {  	[sflag:s25] =	ssyncset.done $0x0  }
0x3e: {  	s10 =	simm.s32 $0x2900;
	[sflag:s25] =	ssyncadd.s32 $0xFFFFE000  }
0x3f: {  	[spmem:s2] =	stream.indirect.scatter.add.f32 [tilespmem:s17], [sflag:$0xB], $0x40, s10, s14, $0xb8;
	[tilespmem:$0x1EE00] =	vst v63  }
0x40: {  	_ =	swait.ge [sflag:s26], $0x2000  }
0x41: {  	[sflag:s26] =	ssyncset.done $0x0  }
0x42: {  	s11 =	simm.s32 $0x2980;
	[sflag:s26] =	ssyncadd.s32 $0xFFFFE000  }
0x43: {  	[spmem:s2] =	stream.indirect.scatter.add.f32 [tilespmem:s18], [sflag:$0xC], $0x40, s11, s14, $0xb8;
	[tilespmem:$0x1EE00] =	vst v63  }
0x44: {  	_ =	swait.ge [sflag:s28], $0x2000  }
0x45: {  	[sflag:s28] =	ssyncset.done $0x0  }
0x46: {  	s12 =	simm.s32 $0x2A00;
	[sflag:s28] =	ssyncadd.s32 $0xFFFFE000  }
0x47: {  	[spmem:s2] =	stream.indirect.scatter.add.f32 [tilespmem:s19], [sflag:$0xD], $0x40, s12, s14, $0xb8;
	[tilespmem:$0x1EE00] =	vst v63  }
0x48: {  	_ =	swait.ge [sflag:s29], $0x2000  }
0x49: {  	[sflag:s29] =	ssyncset.done $0x0  }
0x4a: {  	s10 =	simm.s32 $0x2A80;
	[sflag:s29] =	ssyncadd.s32 $0xFFFFE000  }
0x4b: {  	[spmem:s2] =	stream.indirect.scatter.add.f32 [tilespmem:s20], [sflag:$0xE], $0x40, s10, s14, $0xb8;
	[tilespmem:$0x1EE00] =	vst v63  }
0x4c: {  	_ =	swait.ge [sflag:s30], $0x2000  }
0x4d: {  	[sflag:s30] =	ssyncset.done $0x0  }
0x4e: {  	s11 =	simm.s32 $0x2B00;
	[sflag:s30] =	ssyncadd.s32 $0xFFFFE000  }
0x4f: {  	[spmem:s2] =	stream.indirect.scatter.add.f32 [tilespmem:s21], [sflag:$0xF], $0x40, s11, s14, $0xb8;
	[tilespmem:$0x1EE00] =	vst v63  }
0x50: {  	_ =	swait.ge [sflag:s31], $0x2000  }
0x51: {  	[sflag:s31] =	ssyncset.done $0x0  }
0x52: {  	s12 =	simm.s32 $0x2B80;
	[sflag:s31] =	ssyncadd.s32 $0xFFFFE000  }
0x53: {  	[spmem:s2] =	stream.indirect.scatter.add.f32 [tilespmem:s22], [sflag:$0x10], $0x40, s12, s14, $0xb8;
	[tilespmem:$0x1EE00] =	vst v63  }
0x54: {  	_ =	swait.ge [sflag:s1], $0x2000  }
0x55: {  	[sflag:s1] =	ssyncset.done $0x0  }
0x56: {  	[sflag:s1] =	ssyncadd.s32 $0xFFFFE000  }
0x57: {  	_ =	swait.ge [sflag:s0], $0x2000  }
0x58: {  	[sflag:s0] =	ssyncset.done $0x0  }
0x59: {  	[sflag:s0] =	ssyncadd.s32 $0xFFFFE000  }
0x5a: {  	_ =	swait.ge [sflag:s13], $0x2000  }
0x5b: {  	[sflag:s13] =	ssyncset.done $0x0  }
0x5c: {  	[sflag:s13] =	ssyncadd.s32 $0xFFFFE000  }
0x5d: {  	_ =	swait.ge [sflag:s3], $0x2000  }
0x5e: {  	[sflag:s3] =	ssyncset.done $0x0  }
0x5f: {  	[sflag:s3] =	ssyncadd.s32 $0xFFFFE000  }
0x60: {  	_ =	swait.ge [sflag:s5], $0x2000  }
0x61: {  	[sflag:s5] =	ssyncset.done $0x0  }
0x62: {  	[sflag:s5] =	ssyncadd.s32 $0xFFFFE000  }
0x63: {  	_ =	swait.ge [sflag:s7], $0x2000  }
0x64: {  	[sflag:s7] =	ssyncset.done $0x0  }
0x65: {  	[sflag:s7] =	ssyncadd.s32 $0xFFFFE000  }
0x66: {  	_ =	swait.ge [sflag:s8], $0x2000  }
0x67: {  	[sflag:s8] =	ssyncset.done $0x0  }
0x68: {  	[sflag:s8] =	ssyncadd.s32 $0xFFFFE000  }
0x69: {  	_ =	swait.ge [sflag:s9], $0x2000  }
0x6a: {  	s6 =	simm.s32 $0x1000;
	s11 =	simm.s32 $0x2000;
	[sflag:s9] =	ssyncset.done $0x0  }
.LBB2_2:
0x6b: {  	s12 =	sshra.s32 s6, $0x2  }
0x6c: {  	[sflag:s9] =	ssyncadd.s32 $0xFFFFE000;
	s6 =	smov.u32 s11;
	s10 =	sadd.s32 $0x1000, s11  }
0x6d: {  	[tilespmem:s15], [sflag:$0x1] =	stream.indirect.gather [hbm4b:s4+s14], $0x40, s12, s14, $0xb8;
	[tilespmem:$0x1EE00] =	vst v63  }
0x6e: {  	p0 =	sne.s32 s11, $0x9000;
	s11 =	sadd.s32 $0x80, s12  }
0x6f: {  	[tilespmem:s16], [sflag:$0x2] =	stream.indirect.gather [hbm4b:s4+s14], $0x40, s11, s14, $0xb8;
	[tilespmem:$0x1EE00] =	vst v63  }
0x70: {  	s11 =	sadd.s32 $0x100, s12  }
0x71: {  	[tilespmem:s17], [sflag:$0x3] =	stream.indirect.gather [hbm4b:s4+s14], $0x40, s11, s14, $0xb8;
	[tilespmem:$0x1EE00] =	vst v63  }
0x72: {  	s11 =	sadd.s32 $0x180, s12  }
0x73: {  	[tilespmem:s18], [sflag:$0x4] =	stream.indirect.gather [hbm4b:s4+s14], $0x40, s11, s14, $0xb8;
	[tilespmem:$0x1EE00] =	vst v63  }
0x74: {  	s11 =	sadd.s32 $0x200, s12  }
0x75: {  	[tilespmem:s19], [sflag:$0x5] =	stream.indirect.gather [hbm4b:s4+s14], $0x40, s11, s14, $0xb8;
	[tilespmem:$0x1EE00] =	vst v63  }
0x76: {  	s11 =	sadd.s32 $0x280, s12  }
0x77: {  	[tilespmem:s20], [sflag:$0x6] =	stream.indirect.gather [hbm4b:s4+s14], $0x40, s11, s14, $0xb8;
	[tilespmem:$0x1EE00] =	vst v63  }
0x78: {  	s11 =	sadd.s32 $0x300, s12  }
0x79: {  	[tilespmem:s21], [sflag:$0x7] =	stream.indirect.gather [hbm4b:s4+s14], $0x40, s11, s14, $0xb8;
	[tilespmem:$0x1EE00] =	vst v63  }
0x7a: {  	s11 =	sadd.s32 $0x380, s12  }
0x7b: {  	[tilespmem:s22], [sflag:$0x8] =	stream.indirect.gather [hbm4b:s4+s14], $0x40, s11, s14, $0xb8;
	[tilespmem:$0x1EE00] =	vst v63  }
0x7c: {  	_ =	swait.ge [sflag:s23], $0x2000  }
0x7d: {  	[sflag:s23] =	ssyncset.done $0x0  }
0x7e: {  	s11 =	sadd.s32 $0x2800, s12;
	[sflag:s23] =	ssyncadd.s32 $0xFFFFE000  }
0x7f: {  	[spmem:s2] =	stream.indirect.scatter.add.f32 [tilespmem:s15], [sflag:$0x9], $0x40, s11, s14, $0xb8;
	[tilespmem:$0x1EE00] =	vst v63  }
0x80: {  	_ =	swait.ge [sflag:s24], $0x2000  }
0x81: {  	[sflag:s24] =	ssyncset.done $0x0  }
0x82: {  	s11 =	sadd.s32 $0x2880, s12;
	[sflag:s24] =	ssyncadd.s32 $0xFFFFE000  }
0x83: {  	[spmem:s2] =	stream.indirect.scatter.add.f32 [tilespmem:s16], [sflag:$0xA], $0x40, s11, s14, $0xb8;
	[tilespmem:$0x1EE00] =	vst v63  }
0x84: {  	_ =	swait.ge [sflag:s25], $0x2000  }
0x85: {  	[sflag:s25] =	ssyncset.done $0x0  }
0x86: {  	s11 =	sadd.s32 $0x2900, s12;
	[sflag:s25] =	ssyncadd.s32 $0xFFFFE000  }
0x87: {  	[spmem:s2] =	stream.indirect.scatter.add.f32 [tilespmem:s17], [sflag:$0xB], $0x40, s11, s14, $0xb8;
	[tilespmem:$0x1EE00] =	vst v63  }
0x88: {  	_ =	swait.ge [sflag:s26], $0x2000  }
0x89: {  	[sflag:s26] =	ssyncset.done $0x0  }
0x8a: {  	s11 =	sadd.s32 $0x2980, s12;
	[sflag:s26] =	ssyncadd.s32 $0xFFFFE000  }
0x8b: {  	[spmem:s2] =	stream.indirect.scatter.add.f32 [tilespmem:s18], [sflag:$0xC], $0x40, s11, s14, $0xb8;
	[tilespmem:$0x1EE00] =	vst v63  }
0x8c: {  	_ =	swait.ge [sflag:s28], $0x2000  }
0x8d: {  	[sflag:s28] =	ssyncset.done $0x0  }
0x8e: {  	s11 =	sadd.s32 $0x2A00, s12;
	[sflag:s28] =	ssyncadd.s32 $0xFFFFE000  }
0x8f: {  	[spmem:s2] =	stream.indirect.scatter.add.f32 [tilespmem:s19], [sflag:$0xD], $0x40, s11, s14, $0xb8;
	[tilespmem:$0x1EE00] =	vst v63  }
0x90: {  	_ =	swait.ge [sflag:s29], $0x2000  }
0x91: {  	[sflag:s29] =	ssyncset.done $0x0  }
0x92: {  	s11 =	sadd.s32 $0x2A80, s12;
	[sflag:s29] =	ssyncadd.s32 $0xFFFFE000  }
0x93: {  	[spmem:s2] =	stream.indirect.scatter.add.f32 [tilespmem:s20], [sflag:$0xE], $0x40, s11, s14, $0xb8;
	[tilespmem:$0x1EE00] =	vst v63  }
0x94: {  	_ =	swait.ge [sflag:s30], $0x2000  }
0x95: {  	[sflag:s30] =	ssyncset.done $0x0  }
0x96: {  	s11 =	sadd.s32 $0x2B00, s12;
	[sflag:s30] =	ssyncadd.s32 $0xFFFFE000  }
0x97: {  	[spmem:s2] =	stream.indirect.scatter.add.f32 [tilespmem:s21], [sflag:$0xF], $0x40, s11, s14, $0xb8;
	[tilespmem:$0x1EE00] =	vst v63  }
0x98: {  	_ =	swait.ge [sflag:s31], $0x2000  }
0x99: {  	[sflag:s31] =	ssyncset.done $0x0  }
0x9a: {  	s11 =	sadd.s32 $0x2B80, s12;
	[sflag:s31] =	ssyncadd.s32 $0xFFFFE000  }
0x9b: {  	[spmem:s2] =	stream.indirect.scatter.add.f32 [tilespmem:s22], [sflag:$0x10], $0x40, s11, s14, $0xb8;
	[tilespmem:$0x1EE00] =	vst v63  }
0x9c: {  	_ =	swait.ge [sflag:s1], $0x2000  }
0x9d: {  	[sflag:s1] =	ssyncset.done $0x0  }
0x9e: {  	[sflag:s1] =	ssyncadd.s32 $0xFFFFE000  }
0x9f: {  	_ =	swait.ge [sflag:s0], $0x2000  }
0xa0: {  	[sflag:s0] =	ssyncset.done $0x0  }
0xa1: {  	[sflag:s0] =	ssyncadd.s32 $0xFFFFE000  }
0xa2: {  	_ =	swait.ge [sflag:s13], $0x2000  }
0xa3: {  	[sflag:s13] =	ssyncset.done $0x0  }
0xa4: {  	[sflag:s13] =	ssyncadd.s32 $0xFFFFE000  }
0xa5: {  	_ =	swait.ge [sflag:s3], $0x2000  }
0xa6: {  	[sflag:s3] =	ssyncset.done $0x0  }
0xa7: {  	[sflag:s3] =	ssyncadd.s32 $0xFFFFE000  }
0xa8: {  	_ =	swait.ge [sflag:s5], $0x2000  }
0xa9: {  	[sflag:s5] =	ssyncset.done $0x0  }
0xaa: {  	[sflag:s5] =	ssyncadd.s32 $0xFFFFE000  }
0xab: {  	_ =	swait.ge [sflag:s7], $0x2000  }
0xac: {  	[sflag:s7] =	ssyncset.done $0x0  }
0xad: {  	[sflag:s7] =	ssyncadd.s32 $0xFFFFE000  }
.Ltmp0:
0xae: {  	_ =	swait.ge [sflag:s8], $0x2000;
	(pc) =	sbr.rel @p0 .LBB2_2-.Ltmp0, $4  }
0xaf: {  	[sflag:s8] =	ssyncset.done $0x0  }
0xb0: {  	[sflag:s8] =	ssyncadd.s32 $0xFFFFE000  }
0xb1: {  	_ =	swait.ge [sflag:s9], $0x2000  }
0xb2: {  	s11 =	smov.u32 s10;
	[sflag:s9] =	ssyncset.done $0x0  }
0xb3: {  	s6 =	sshra.s32 s6, $0x2;
	[sflag:s9] =	ssyncadd.s32 $0xFFFFE000  }
0xb4: {  	[tilespmem:s15], [sflag:$0x1] =	stream.indirect.gather [hbm4b:s4+s14], $0x40, s6, s14, $0xb8;
	[tilespmem:$0x1EE00] =	vst v63  }
0xb5: {  	s10 =	sadd.s32 $0x80, s6  }
0xb6: {  	[tilespmem:s16], [sflag:$0x2] =	stream.indirect.gather [hbm4b:s4+s14], $0x40, s10, s14, $0xb8;
	[tilespmem:$0x1EE00] =	vst v63  }
0xb7: {  	s12 =	sadd.s32 $0x100, s6  }
0xb8: {  	[tilespmem:s17], [sflag:$0x3] =	stream.indirect.gather [hbm4b:s4+s14], $0x40, s12, s14, $0xb8;
	[tilespmem:$0x1EE00] =	vst v63  }
0xb9: {  	s11 =	sadd.s32 $0x180, s6  }
0xba: {  	[tilespmem:s18], [sflag:$0x4] =	stream.indirect.gather [hbm4b:s4+s14], $0x40, s11, s14, $0xb8;
	[tilespmem:$0x1EE00] =	vst v63  }
0xbb: {  	s12 =	sadd.s32 $0x200, s6  }
0xbc: {  	[tilespmem:s19], [sflag:$0x5] =	stream.indirect.gather [hbm4b:s4+s14], $0x40, s12, s14, $0xb8;
	[tilespmem:$0x1EE00] =	vst v63  }
0xbd: {  	s11 =	sadd.s32 $0x280, s6  }
0xbe: {  	[tilespmem:s20], [sflag:$0x6] =	stream.indirect.gather [hbm4b:s4+s14], $0x40, s11, s14, $0xb8;
	[tilespmem:$0x1EE00] =	vst v63  }
0xbf: {  	s12 =	sadd.s32 $0x300, s6  }
0xc0: {  	[tilespmem:s21], [sflag:$0x7] =	stream.indirect.gather [hbm4b:s4+s14], $0x40, s12, s14, $0xb8;
	[tilespmem:$0x1EE00] =	vst v63  }
0xc1: {  	s11 =	sadd.s32 $0x380, s6  }
0xc2: {  	[tilespmem:s22], [sflag:$0x8] =	stream.indirect.gather [hbm4b:s4+s14], $0x40, s11, s14, $0xb8;
	[tilespmem:$0x1EE00] =	vst v63  }
0xc3: {  	_ =	swait.ge [sflag:s23], $0x2000  }
0xc4: {  	[sflag:s23] =	ssyncset.done $0x0  }
0xc5: {  	s12 =	sadd.s32 $0x2800, s6;
	[sflag:s23] =	ssyncadd.s32 $0xFFFFE000  }
0xc6: {  	[spmem:s2] =	stream.indirect.scatter.add.f32 [tilespmem:s15], [sflag:$0x9], $0x40, s12, s14, $0xb8;
	[tilespmem:$0x1EE00] =	vst v63  }
0xc7: {  	_ =	swait.ge [sflag:s24], $0x2000  }
0xc8: {  	[sflag:s24] =	ssyncset.done $0x0  }
0xc9: {  	s11 =	sadd.s32 $0x2880, s6;
	[sflag:s24] =	ssyncadd.s32 $0xFFFFE000  }
0xca: {  	[spmem:s2] =	stream.indirect.scatter.add.f32 [tilespmem:s16], [sflag:$0xA], $0x40, s11, s14, $0xb8;
	[tilespmem:$0x1EE00] =	vst v63  }
0xcb: {  	_ =	swait.ge [sflag:s25], $0x2000  }
0xcc: {  	[sflag:s25] =	ssyncset.done $0x0  }
0xcd: {  	s12 =	sadd.s32 $0x2900, s6;
	[sflag:s25] =	ssyncadd.s32 $0xFFFFE000  }
0xce: {  	[spmem:s2] =	stream.indirect.scatter.add.f32 [tilespmem:s17], [sflag:$0xB], $0x40, s12, s14, $0xb8;
	[tilespmem:$0x1EE00] =	vst v63  }
0xcf: {  	_ =	swait.ge [sflag:s26], $0x2000  }
0xd0: {  	[sflag:s26] =	ssyncset.done $0x0  }
0xd1: {  	s11 =	sadd.s32 $0x2980, s6;
	[sflag:s26] =	ssyncadd.s32 $0xFFFFE000  }
0xd2: {  	[spmem:s2] =	stream.indirect.scatter.add.f32 [tilespmem:s18], [sflag:$0xC], $0x40, s11, s14, $0xb8;
	[tilespmem:$0x1EE00] =	vst v63  }
0xd3: {  	_ =	swait.ge [sflag:s28], $0x2000  }
0xd4: {  	[sflag:s28] =	ssyncset.done $0x0  }
0xd5: {  	s12 =	sadd.s32 $0x2A00, s6;
	[sflag:s28] =	ssyncadd.s32 $0xFFFFE000  }
0xd6: {  	[spmem:s2] =	stream.indirect.scatter.add.f32 [tilespmem:s19], [sflag:$0xD], $0x40, s12, s14, $0xb8;
	[tilespmem:$0x1EE00] =	vst v63  }
0xd7: {  	_ =	swait.ge [sflag:s29], $0x2000  }
0xd8: {  	[sflag:s29] =	ssyncset.done $0x0  }
0xd9: {  	s11 =	sadd.s32 $0x2A80, s6;
	[sflag:s29] =	ssyncadd.s32 $0xFFFFE000  }
0xda: {  	[spmem:s2] =	stream.indirect.scatter.add.f32 [tilespmem:s20], [sflag:$0xE], $0x40, s11, s14, $0xb8;
	[tilespmem:$0x1EE00] =	vst v63  }
0xdb: {  	_ =	swait.ge [sflag:s30], $0x2000  }
0xdc: {  	[sflag:s30] =	ssyncset.done $0x0  }
0xdd: {  	s12 =	sadd.s32 $0x2B00, s6;
	[sflag:s30] =	ssyncadd.s32 $0xFFFFE000  }
0xde: {  	[spmem:s2] =	stream.indirect.scatter.add.f32 [tilespmem:s21], [sflag:$0xF], $0x40, s12, s14, $0xb8;
	[tilespmem:$0x1EE00] =	vst v63  }
0xdf: {  	_ =	swait.ge [sflag:s31], $0x2000  }
0xe0: {  	[sflag:s31] =	ssyncset.done $0x0  }
0xe1: {  	s6 =	sadd.s32 $0x2B80, s6;
	[sflag:s31] =	ssyncadd.s32 $0xFFFFE000  }
0xe2: {  	[spmem:s2] =	stream.indirect.scatter.add.f32 [tilespmem:s22], [sflag:$0x10], $0x40, s6, s14, $0xb8;
	[tilespmem:$0x1EE00] =	vst v63  }
0xe3: {  	_ =	swait.ge [sflag:s1], $0x2000  }
0xe4: {  	[sflag:s1] =	ssyncset.done $0x0  }
0xe5: {  	[sflag:s1] =	ssyncadd.s32 $0xFFFFE000  }
0xe6: {  	_ =	swait.ge [sflag:s0], $0x2000  }
0xe7: {  	[sflag:s0] =	ssyncset.done $0x0  }
0xe8: {  	[sflag:s0] =	ssyncadd.s32 $0xFFFFE000  }
0xe9: {  	_ =	swait.ge [sflag:s13], $0x2000  }
0xea: {  	[sflag:s13] =	ssyncset.done $0x0  }
0xeb: {  	[sflag:s13] =	ssyncadd.s32 $0xFFFFE000  }
0xec: {  	_ =	swait.ge [sflag:s3], $0x2000  }
0xed: {  	[sflag:s3] =	ssyncset.done $0x0  }
0xee: {  	[sflag:s3] =	ssyncadd.s32 $0xFFFFE000  }
0xef: {  	_ =	swait.ge [sflag:s5], $0x2000  }
0xf0: {  	[sflag:s5] =	ssyncset.done $0x0  }
0xf1: {  	[sflag:s5] =	ssyncadd.s32 $0xFFFFE000  }
0xf2: {  	_ =	swait.ge [sflag:s7], $0x2000  }
0xf3: {  	[sflag:s7] =	ssyncset.done $0x0  }
0xf4: {  	[sflag:s7] =	ssyncadd.s32 $0xFFFFE000  }
0xf5: {  	_ =	swait.ge [sflag:s8], $0x2000  }
0xf6: {  	[sflag:s8] =	ssyncset.done $0x0  }
0xf7: {  	[sflag:s8] =	ssyncadd.s32 $0xFFFFE000  }
0xf8: {  	_ =	swait.ge [sflag:s9], $0x2000  }
0xf9: {  	[sflag:s9] =	ssyncset.done $0x0  }
0xfa: {  	[sflag:s9] =	ssyncadd.s32 $0xFFFFE000  }
0xfb: {  	[bflag:$0x0] =	sbarrier.arrive $0xFFFF  }
0xfc: {  	s6 =	rddreg [dreg:$0x4]  }
0xfd: {  	s12 =	rddreg [dreg:$0x7]  }
0xfe: {  	s11 =	rddreg [dreg:$0x9]  }
0xff: {  	[hbm:s12], [sflag:s6] =	dma.local [spmem:s11], $0x13C0  }
0x100: {  	s12 =	simm.s32 $0x11  }
0x101: {  	_ =	swait.ge [sflag:s12], $0x13C0  }
0x102: {  	s6 =	rddreg [dreg:$0xa]  }
0x103: {  	s10 =	sadd.s32 $0x1, s6;
	s6 =	rddreg [dreg:$0x8]  }
0x104: {  	p0 =	sne.s32 s10, s6  }
.Ltmp1:
0x105: {  	_ = 	snop;
	(pc) =	sbr.rel @p0 .LBB2_1-.Ltmp1, $3  }
0x106: {  	_ =	sdelay $0x1  }
0x107: {  	[sflag:s12] =	ssyncset.done $0x0;
	[dreg:$0xa] =	wrdreg s10  }
0x108: {  	[sflag:s12] =	ssyncadd.s32 $0xFFFFEC40;
	s10 =	rddreg [dreg:$0x4]  }
0x109: {  	_ =	sfence.sel $0x180000  }
0x10a: {  	[bflag:$0x0] =	sbarrier.arrive $0xFFFF  }
0x10b: {  	_ =	strace $0x9000004D  }
0x10c: {  	s0 =	stileid.u32;
	[bflag:$0x2] =	sbarrier.arrive $0xFFFF  }
0x10d: {  	p0 =	sne.s32 s0, $0x0;
	s0 =	rddreg [dreg:$0x2]  }
0x10e: {  	s0 =	sadd.s32 @!p0 $0x100000, s0  }
0x10f: {  	[sflag:s0] =	ssyncadd.tile.s32 @!p0 $0x1;
	_ =	shalt  }
.Lfunc_end2:
_tile_overlayer_lowered:
.L_overlay_start_2:
0x110: {  	(tag) =	ssettag $0x2  }
0x111: {  	s0 =	rddreg [dreg:$0x0];
	s2 =	stileid.u32  }
0x112: {  	s1 =	rddreg [dreg:$0x1];
	p0 =	sne.s32 s2, $0x0  }
0x113: {  	s3 =	rddreg [dreg:$0x2];
	[bflag:$0x3] =	sbarrier.arrive $0xFFFF;
	s2 =	simm.s32 @!p0 $0x1C11  }
0x114: {  	[timem:s3], [sflag:s2] =	dma.local @!p0 [hbm:s0], s1  }
0x115: {  	s0 =	simm.s32 @!p0 $0x11  }
0x116: {  	_ =	swait.ge @!p0 [sflag:s0], s1  }
0x117: {  	s1 =	ssub.s32 @!p0 $0x0, s1;
	[sflag:s0] =	ssyncset.done @!p0 $0x0  }
0x118: {  	[sflag:s0] =	ssyncadd.s32 @!p0 s1  }
0x119: {  	[bflag:$0x3] =	sbarrier.arrive $0xFFFF  }
0x11a: {  	_ =	shalt  }

// kernel: kernel.8.cloned.1.call-start
scs
__scs_entry_jumppad:
0x0: {  	(pc) =	sbr.rel $0x88, $3  }
0x1: {  	(tag) =	ssettag $0x0;
	lr =	simm.s32 $0x1  }
0x2: {  	[smem:$0x3F98] =	sst lr;
	_ =	strace $0xD0000000  }
0x3: {  	_ = 	snop  }
0x4: {  	_ = 	snop  }
0x5: {  	_ = 	snop  }
0x6: {  	_ = 	snop  }
0x7: {  	_ = 	snop  }
__scs_overlays_trampoline_lowered:
0x8: {  	[smem:$0x3FA7] =	sst s0  }
0x9: {  	[smem:$0x3FA8] =	sst s1  }
0xa: {  	[smem:$0x3FA9] =	sst s2  }
0xb: {  	[smem:$0x3FAA] =	sst s3  }
0xc: {  	[smem:$0x3FAB] =	sst s4  }
0xd: {  	[smem:$0x3FAC] =	sst s5  }
0xe: {  	[smem:$0x3FAD] =	sst s6  }
0xf: {  	[smem:$0x3FAE] =	sst s7  }
0x10: {  	[smem:$0x3FAF] =	sst s8  }
0x11: {  	[smem:$0x3FB0] =	sst s9;
	s0 =	simm.s32 @!p0 $0x0  }
0x12: {  	s1 =	sld [smem:$0x3F96];
	s0 =	simm.s32 @p0 $0x1  }
0x13: {  	[smem:$0x3FB1] =	sst s0;
	s0 =	simm.s32 @!p1 $0x0  }
0x14: {  	s2 =	sld [smem:$0x3F95];
	s0 =	simm.s32 @p1 $0x1  }
0x15: {  	[smem:$0x3FB2] =	sst s0;
	s0 =	simm.s32 @!p2 $0x0  }
0x16: {  	s3 =	sld [smem:$0x3FDB];
	s0 =	simm.s32 @p2 $0x1  }
0x17: {  	s4 =	simm.s32 $0x1BF5;
	[smem:$0x3FB4] =	sst s0  }
0x18: {  	s0 =	sld [smem:$0x3F97];
	_ =	swait.ge [sflag:s4], $0x0  }
0x19: {  	s7 =	sld [smem:$0x3F98]  }
0x1a: {  	s8 =	sadd.s32 $0xFFFFE003, lr  }
0x1b: {  	s9 =	sadd.s32 $0xFFFFFEF7, lr;
	s5 =	simm.s32 $0xFFFFFFFF;
	p2 =	slt.u32 s8, $0xFFFFF086  }
0x1c: {  	p1 =	slt.u32 s9, $0xF7A;
	s5 =	simm.s32 @!p2 $0x0  }
0x1d: {  	s5 =	simm.s32 @p1 $0x1;
	p0 =	seq.s32 s7, s2  }
0x1e: {  	s7 =	smul.u32 @!p0 $0xF7A, s2;
	p2 =	seq.s32 @!p0 s5, $0x0  }
0x1f: {  	s9 =	smul.u32 $0xF7A, s1;
	s8 =	simm.s32 @!p0 $0x1BF5;
	p2 =	por !p2, p0  }
0x20: {  	[sflag:s8] =	ssyncset.s32 @!p0 $0xFFFFF086;
	s6 =	sadd.s32 @!p0 s3, s7;
	s7 =	simm.s32 @!p0 $0x108  }
0x21: {  	s3 =	sadd.s32 s3, s9;
	s6 =	sadd.s32 @!p0 $0x88, s6;
	s7 =	simm.s32 @p2 $0x1082  }
0x22: {  	[simem:s7], [sflag:s8] =	dma.local @!p0 [hbm:s6], $0xF7A  }
0x23: {  	s9 =	sor.u32 $0xD0000000, s2;
	s6 =	simm.s32 $0x108;
	_ =	swait.ge @!p0 [sflag:s8], $0x0  }
0x24: {  	s3 =	sadd.s32 $0x88, s3;
	s6 =	simm.s32 @!p1 $0x1082;
	[sflag:s4] =	ssyncset.s32 $0xFFFFF086  }
0x25: {  	[simem:s6], [sflag:s4] =	dma.local [hbm:s3], $0xF7A  }
0x26: {  	[smem:$0x3F98] =	sst s1;
	(tag) =	ssettag s2;
	_ =	strace s9  }
0x27: {  	s1 =	sld [smem:$0x3FA8]  }
0x28: {  	s2 =	sld [smem:$0x3FA9]  }
0x29: {  	s4 =	sld [smem:$0x3FAB]  }
0x2a: {  	p0 =	seq.s32 s5, $0x0;
	s5 =	sld [smem:$0x3FAC]  }
0x2b: {  	s6 =	sld [smem:$0x3FAD]  }
0x2c: {  	s7 =	sld [smem:$0x3FAE]  }
0x2d: {  	s3 =	simm.s32 $0x108;
	s8 =	sld [smem:$0x3FAF]  }
0x2e: {  	s3 =	simm.s32 @!p0 $0x1082;
	s9 =	sld [smem:$0x3FB0]  }
0x2f: {  	lr =	sadd.s32 s0, s3;
	s0 =	sld [smem:$0x3FA7]  }
0x30: {  	s3 =	sld [smem:$0x3FAA]  }
0x31: {  	[smem:$0x3FB3] =	sst s10  }
0x32: {  	s10 =	sld [smem:$0x3FB1];
	_ =	sdelay $0x3  }
0x33: {  	p0 =	seq.s32 s10, $0x1;
	s10 =	sld [smem:$0x3FB3];
	_ =	sdelay $0x3  }
0x34: {  	[smem:$0x3FB3] =	sst s10  }
0x35: {  	s10 =	sld [smem:$0x3FB2];
	_ =	sdelay $0x3  }
0x36: {  	p1 =	seq.s32 s10, $0x1;
	s10 =	sld [smem:$0x3FB3];
	_ =	sdelay $0x3  }
0x37: {  	[smem:$0x3FB3] =	sst s10  }
0x38: {  	s10 =	sld [smem:$0x3FB4]  }
0x39: {  	_ = 	snop;
	(pc) =	sbr.ind lr, $3  }
0x3a: {  	_ = 	snop  }
0x3b: {  	_ = 	snop  }
0x3c: {  	p2 =	seq.s32 s10, $0x1;
	s10 =	sld [smem:$0x3FB3]  }
0x3d: {  	_ =	shalt  }
0x3e: {  	_ =	shalt  }
0x3f: {  	_ =	shalt  }
0x40: {  	_ =	shalt  }
0x41: {  	_ =	shalt  }
0x42: {  	_ =	shalt  }
0x43: {  	_ =	shalt  }
0x44: {  	_ =	shalt  }
0x45: {  	_ =	shalt  }
0x46: {  	_ =	shalt  }
0x47: {  	_ =	shalt  }
0x48: {  	_ =	shalt  }
0x49: {  	_ =	shalt  }
0x4a: {  	_ =	shalt  }
0x4b: {  	_ =	shalt  }
0x4c: {  	_ =	shalt  }
0x4d: {  	_ =	shalt  }
0x4e: {  	_ =	shalt  }
0x4f: {  	_ =	shalt  }
0x50: {  	_ =	shalt  }
0x51: {  	_ =	shalt  }
0x52: {  	_ =	shalt  }
0x53: {  	_ =	shalt  }
0x54: {  	_ =	shalt  }
0x55: {  	_ =	shalt  }
0x56: {  	_ =	shalt  }
0x57: {  	_ =	shalt  }
0x58: {  	_ =	shalt  }
0x59: {  	_ =	shalt  }
0x5a: {  	_ =	shalt  }
0x5b: {  	_ =	shalt  }
0x5c: {  	_ =	shalt  }
0x5d: {  	_ =	shalt  }
0x5e: {  	_ =	shalt  }
0x5f: {  	_ =	shalt  }
0x60: {  	_ =	shalt  }
0x61: {  	_ =	shalt  }
0x62: {  	_ =	shalt  }
0x63: {  	_ =	shalt  }
0x64: {  	_ =	shalt  }
0x65: {  	_ =	shalt  }
0x66: {  	_ =	shalt  }
0x67: {  	_ =	shalt  }
0x68: {  	_ =	shalt  }
0x69: {  	_ =	shalt  }
0x6a: {  	_ =	shalt  }
0x6b: {  	_ =	shalt  }
0x6c: {  	_ =	shalt  }
0x6d: {  	_ =	shalt  }
0x6e: {  	_ =	shalt  }
0x6f: {  	_ =	shalt  }
0x70: {  	_ =	shalt  }
0x71: {  	_ =	shalt  }
0x72: {  	_ =	shalt  }
0x73: {  	_ =	shalt  }
0x74: {  	_ =	shalt  }
0x75: {  	_ =	shalt  }
0x76: {  	_ =	shalt  }
0x77: {  	_ =	shalt  }
0x78: {  	_ =	shalt  }
0x79: {  	_ =	shalt  }
0x7a: {  	_ =	shalt  }
0x7b: {  	_ =	shalt  }
0x7c: {  	_ =	shalt  }
0x7d: {  	_ =	shalt  }
0x7e: {  	_ =	shalt  }
0x7f: {  	_ =	shalt  }
0x80: {  	_ =	shalt  }
0x81: {  	_ =	shalt  }
0x82: {  	_ =	shalt  }
0x83: {  	_ =	shalt  }
0x84: {  	_ =	shalt  }
0x85: {  	_ =	shalt  }
0x86: {  	_ =	shalt  }
0x87: {  	_ =	shalt  }
.Lfunc_end0:
.L_simem_size_0:
called_computation_lowered:
.L_overlay_start_0:
0x88: {  	s2 =	sld [smem:$0x3FD9]  }
0x89: {  	s3 =	sld [smem:$0x3FFE];
	_ =	sdelay $0x1  }
0x8a: {  	s1 =	srdreg.scid  }
0x8b: {  	s0 =	sand.u32 $0x1, s1  }
0x8c: {  	s17 =	sshll.u32 s0, $0xA;
	s2 =	sadd.s32 s3, s2  }
0x8d: {  	s2 =	sadd.s32 s2, s17  }
0x8e: {  	[smem:$0x3FBF] =	sst s2  }
0x8f: {  	_ = 	snop  }
0x90: {  	s2 =	sld [smem:$0x3FD0];
	(tm) =	ssettm $0x1  }
0x91: {  	s18 =	sld [smem:$0x3FFB];
	_ =	sdelay $0x3  }
0x92: {  	_ =	strace s18  }
0x93: {  	s3 =	sld [smem:$0x3FFC];
	_ =	sdelay $0x3  }
0x94: {  	_ =	strace s3  }
0x95: {  	s3 =	sld [smem:$0x3FFD];
	_ =	sdelay $0x3  }
0x96: {  	_ =	strace s3  }
0x97: {  	_ =	strace $0x8FFFFFFF  }
0x98: {  	s19 =	sld [smem:$0x3FDB];
	_ =	sdelay $0x1  }
0x99: {  	s4 =	simm.s32 $_scs_section_size  }
0x9a: {  	s5 =	simm.s32 $_size__tile_overlayer_lowered;
	s6 =	simm.s32 $_tile_overlayer_lowered  }
0x9b: {  	s22 =	simm.s32 $0x1BFF;
	s21 =	sshll.u32 s6, $0x1;
	s3 =	sadd.s32 s4, s19  }
0x9c: {  	s7 =	simm.s32 $0x0;
	s20 =	sshll.u32 s5, $0x1;
	s5 =	sadd.s32 s21, s3  }
0x9d: {  	[timem:s7], [sflag:s22] =	dma.local [hbm:s5], s20  }
0x9e: {  	_ =	swait.ge [sflag:s22], s20  }
0x9f: {  	s4 =	ssub.s32 $0x0, s20;
	[sflag:s22] =	ssyncset.done $0x0  }
0xa0: {  	[sflag:s22] =	ssyncadd.s32 s4;
	_ =	sdelay $0x1  }
0xa1: {  	s23 =	simm.s32 $0x1B8B  }
0xa2: {  	_ =	swait.ge [sflag:s23], $0x1  }
0xa3: {  	[sflag:s23] =	ssyncset.done $0x0  }
0xa4: {  	s25 =	simm.s32 $0x1B8E;
	s24 =	sld [smem:$0x3FFE];
	[sflag:s23] =	ssyncadd.s32 $0xFFFFFFFF  }
0xa5: {  	s26 =	simm.s32 $execute0_lowered;
	[smem:$0x3FD2] =	sst s25  }
0xa6: {  	s5 =	sshll.u32 s26, $0x1;
	_ =	strace $0x80000046;
	[dreg:$0x1] =	wrdreg $0xFFFFFFFF  }
0xa7: {  	s28 =	simm.s32 $_size_execute0_lowered;
	s3 =	sadd.s32 s3, s5;
	[dreg:$0x0] =	wrdreg $0x0  }
0xa8: {  	s5 =	sshll.u32 s28, $0x1;
	[dreg:$0x2] =	wrdreg s3  }
0xa9: {  	[dreg:$0x3] =	wrdreg s5  }
0xaa: {  	[dreg:$0x4] =	wrdreg $0xC0  }
0xab: {  	_ =	task [dreg:s7], $0x5FFFF  }
0xac: {  	[dreg:$0x1] =	wrdreg $0xFFFFFFFF  }
0xad: {  	[dreg:$0x0] =	wrdreg $0x60  }
0xae: {  	[dreg:$0x2] =	wrdreg s24  }
0xaf: {  	[dreg:$0x3] =	wrdreg s2  }
0xb0: {  	[dreg:$0x4] =	wrdreg $0x2C000  }
0xb1: {  	[dreg:$0x5] =	wrdreg $0x9  }
0xb2: {  	_ =	task.clear_ibuf [dreg:s7], $0x6FFFF;
	_ =	strace $0x90000046  }
0xb3: {  	s29 =	simm.s32 $0x9;
	_ =	strace $0x80000048  }
0xb4: {  	_ =	swait.ge [sflag:s29], $0x1  }
0xb5: {  	[sflag:s29] =	ssyncadd.s32 $0xFFFFFFFF  }
0xb6: {  	_ =	strace $0x90000048  }
0xb7: {  	_ =	sfence  }
0xb8: {  	s30 =	sld [smem:$0x0];
	_ =	sdelay $0x2  }
0xb9: {  	s31 =	sshll.u32 s1, $0xD;
	s1 =	sshrl.u32 s1, $0x2  }
0xba: {  	s3 =	sand.u32 $0x4000, s31;
	s1 =	sadd.s32 s1, s30  }
0xbb: {  	s0 =	sor.u32 s3, s0;
	s1 =	sshll.u32 s1, $0x11  }
0xbc: {  	s0 =	sor.u32 s1, s0  }
0xbd: {  	s0 =	sadd.s32 $0x8F2B, s0  }
0xbe: {  	[sflag:s0] =	ssyncadd.remote.s32 $0x1  }
0xbf: {  	_ =	sfence.sel $0xFFFF  }
0xc0: {  	[dreg:$0x0] =	wrdreg $0xFFFFFFFF;
	(pc) =	sbr.abs _section_cstart, $3  }
0xc1: {  	[dreg:$0x1] =	wrdreg $0xFFFFFFFF  }
0xc2: {  	_ =	task.clear_ibuf [dreg:s7], $0x2FFFF;
	_ =	strace $0x9FFFFFFF  }
0xc3: {  	(tm) =	ssettm $0x7FFFFFFF  }
tec
execute0_lowered:
.L_overlay_start_1:
0x0: {  	(tag) =	ssettag $0x1  }
0x1: {  	s7 =	rddreg [dreg:$0x0]  }
0x2: {  	s2 =	rddreg [dreg:$0x1]  }
0x3: {  	s0 =	srdreg.scid;
	s3 =	rddreg [dreg:$0x2];
	s4 =	simm.s32 $0x0  }
0x4: {  	s14 =	simm.s32 $0x1;
	s6 =	sand.u32 $0x1, s0;
	s0 =	stileid.u32  }
0x5: {  	s15 =	simm.s32 $0x0;
	[smem:$0x7FF] =	sst s4;
	s8 =	smul.u32 $0x13C0, s0  }
0x6: {  	s1 =	sshll.u32 s6, $0x4;
	s9 =	smul.u32 $0x13C00, s6;
	s6 =	ssub.s32 $0x2, s6  }
0x7: {  	s11 =	sshll.u32 s0, $0x6;
	s1 =	sor.u32 s0, s1;
	s31 =	sshrl.u32 s6, $0x1  }
0x8: {  	s5 =	smul.u32 $0x500, s1;
	s1 =	rddreg [dreg:$0x3];
	_ =	strace $0x80000047  }
0x9: {  	s9 =	sadd.s32 s8, s9;
	s12 =	ssub.s32 s6, s31;
	s13 =	sadd.s32 s8, s3  }
0xa: {  	s6 =	sor.u32 $0x1C02, s11;
	s11 =	simm.s32 $0x2;
	s9 =	sshrl.u32 s9, $0x3  }
0xb: {  	s10 =	sadd.s32 s5, s7;
	s5 =	sadd.s32 $0x15800, s7;
	s9 =	sadd.s32 s9, s7  }
0xc: {  	s7 =	sadd.s32 $0xB800, s10;
	s8 =	sadd.s32 $0x15C00, s9;
	s9 =	smax.u32 s12, $0x1  }
0xd: {  	s10 =	sshrl.u32 s13, $0x3;
	s12 =	simm.s32 $0x2800;
	s13 =	simm.s32 $0x80  }
.LBB2_1:
0xe: {  	[spmem:s10], [sflag:s6] =	dma.local [hbm:s5], $0x278  }
0xf: {  	_ =	swait.ge [sflag:s11], $0x278  }
0x10: {  	[sflag:s11] =	ssyncset.done $0x0  }
0x11: {  	[sflag:s11] =	ssyncadd.s32 $0xFFFFFD88  }
0x12: {  	[tilespmem:s12], [sflag:$0x2] =	stream.linear.gather [hbm4b:s2+s4], $0x400, $0x38;
	[tilespmem:$0x3FC0] =	vst v63  }
0x13: {  	_ =	swait.ge [sflag:s11], $0x400  }
0x14: {  	[sflag:s11] =	ssyncset.done $0x0  }
0x15: {  	[sflag:s11] =	ssyncadd.s32 $0xFFFFFC00  }
0x16: {  	[tilespmem:s4], [sflag:$0x2] =	stream.linear.gather [hbm4b:s7+s4], $0x2800, $0x38;
	[tilespmem:$0x3FC0] =	vst v63  }
0x17: {  	_ =	swait.ge [sflag:s11], $0x2800  }
0x18: {  	[sflag:s11] =	ssyncset.done $0x0  }
0x19: {  	[sflag:s11] =	ssyncadd.s32 $0xFFFFD800  }
0x1a: {  	s16 =	simm.s32 $0x0;
	[bflag:$0x0] =	sbarrier.arrive $0xFFFF  }
.LBB2_2:
0x1b: {  	p0 =	sne.s32 s16, $0x9E00  }
.Ltmp0:
0x1c: {  	_ = 	snop;
	(pc) =	sbr.rel @p0 .LBB2_2-.Ltmp0, $3  }
0x1d: {  	_ =	sdelay $0x1  }
0x1e: {  	s17 =	sshra.s32 s16, $0x2;
	s16 =	sadd.s32 $0x200, s16  }
0x1f: {  	[spmem:s3] =	stream.indirect.scatter.add.f32 [tilespmem:s12], [sflag:$0x1], $0x8, s17, s13, $0xb8;
	[tilespmem:$0x3FC0] =	vst v63  }
0x20: {  	_ =	swait.ge [sflag:s14], $0x400  }
0x21: {  	s16 =	simm.s32 $0x4F;
	[sflag:s14] =	ssyncset.done $0x0  }
.LBB2_4:
0x22: {  	p0 =	sne.s32 s16, $0x1;
	s16 =	sadd.s32 $0xFFFFFFFF, s16;
	[sflag:s14] =	ssyncadd.s32 $0xFFFFFC00  }
.Ltmp1:
0x23: {  	(pc) =	sbr.rel @p0 .LBB2_4-.Ltmp1, $3  }
0x24: {  	_ =	sdelay $0x1  }
0x25: {  	_ =	swait.ge [sflag:s14], $0x400  }
0x26: {  	[sflag:s14] =	ssyncset.done $0x0  }
0x27: {  	s15 =	sadd.s32 $0x1, s15  }
0x28: {  	[sflag:s14] =	ssyncadd.s32 $0xFFFFFC00;
	p0 =	sne.s32 s15, s9  }
.Ltmp2:
0x29: {  	[bflag:$0x0] =	sbarrier.arrive $0xFFFF;
	(pc) =	sbr.rel @p0 .LBB2_1-.Ltmp2, $4  }
0x2a: {  	[hbm:s8], [sflag:s6] =	dma.local [spmem:s10], $0x278  }
0x2b: {  	_ =	swait.ge [sflag:s11], $0x278  }
0x2c: {  	[sflag:s11] =	ssyncset.done $0x0  }
0x2d: {  	[sflag:s11] =	ssyncadd.s32 $0xFFFFFD88  }
0x2e: {  	_ =	sfence.sel $0x180000  }
0x2f: {  	[bflag:$0x0] =	sbarrier.arrive $0xFFFF  }
0x30: {  	p0 =	sne.s32 s0, $0x0;
	_ =	strace $0x90000047  }
0x31: {  	s0 =	sadd.s32 @!p0 $0x100000, s1;
	[bflag:$0x2] =	sbarrier.arrive $0xFFFF  }
0x32: {  	[sflag:s0] =	ssyncadd.tile.s32 @!p0 $0x1;
	_ =	shalt  }
.Lfunc_end2:
_tile_overlayer_lowered:
.L_overlay_start_2:
0x33: {  	(tag) =	ssettag $0x2  }
0x34: {  	s0 =	rddreg [dreg:$0x0];
	s2 =	stileid.u32  }
0x35: {  	s1 =	rddreg [dreg:$0x1];
	p0 =	sne.s32 s2, $0x0  }
0x36: {  	s3 =	rddreg [dreg:$0x2];
	[bflag:$0x3] =	sbarrier.arrive $0xFFFF;
	s2 =	simm.s32 @!p0 $0x1C02  }
0x37: {  	[timem:s3], [sflag:s2] =	dma.local @!p0 [hbm:s0], s1  }
0x38: {  	s0 =	simm.s32 @!p0 $0x2  }
0x39: {  	_ =	swait.ge @!p0 [sflag:s0], s1  }
0x3a: {  	s1 =	ssub.s32 @!p0 $0x0, s1;
	[sflag:s0] =	ssyncset.done @!p0 $0x0  }
0x3b: {  	[sflag:s0] =	ssyncadd.s32 @!p0 s1  }
0x3c: {  	[bflag:$0x3] =	sbarrier.arrive $0xFFFF  }
0x3d: {  	_ =	shalt  }

</sc_bundles>
